<compile_context>
chip_gen: v7x
topology: tpu7x:2x2x1
jax: 0.10.2.dev20260603
libtpu: 0.0.44.dev20260713+nightly
codegen_flags: <defaults>
</compile_context>

<pallas_src>
import functools

import jax
import jax.numpy as jnp
from jax import lax
from jax.experimental import pallas as pl
from jax.experimental.pallas import tpu as pltpu
import jax.experimental.pallas.tpu_sc as plsc

N_NODES = 10000
E_EDGES = 320000
F = 128
EPS = 1e-5

NC = 2
NS = 16
N_PAD = 10240
ROWS_PER_TILE = N_PAD // NS
EDGES_PER_TILE = E_EDGES // (NC * NS)
CHUNK = 80
N_CHUNKS = EDGES_PER_TILE // CHUNK
WB = 80
CNT_W = 32

BLK_STATS = 2560
BLK_MM = 2560
BLK_CMB = 2000


def _prep_body(e_ref, g_ref, bt_ref, w_ref, b_ref, wp_ref, bp_ref, f_ref,
               s_acc, q_acc):
    p = pl.program_id(0)
    i = pl.program_id(1)

    @pl.when(p == 0)
    def _():
        blk = e_ref[...]
        s = jnp.sum(blk, axis=0, keepdims=True)
        q = jnp.sum(blk * blk, axis=0, keepdims=True)

        @pl.when(i == 0)
        def _():
            s_acc[...] = s
            q_acc[...] = q

        @pl.when(i > 0)
        def _():
            s_acc[...] += s
            q_acc[...] += q

        @pl.when(i == pl.num_programs(1) - 1)
        def _():
            inv_e = 1.0 / E_EDGES
            mean = s_acc[...] * inv_e
            var = q_acc[...] * inv_e - mean * mean
            scale = g_ref[...] * lax.rsqrt(var + EPS)
            shift = bt_ref[...] - mean * scale
            wp_ref[...] = w_ref[...] * jnp.transpose(scale)
            bp_ref[...] = (
                jnp.dot(shift, w_ref[...], preferred_element_type=jnp.float32,
                        precision=lax.Precision.HIGHEST)
                + b_ref[...]
            )

    @pl.when(p == 1)
    def _():
        x = e_ref[...]
        w = wp_ref[...]
        x_hi = x.astype(jnp.bfloat16)
        x_lo = (x - x_hi.astype(jnp.float32)).astype(jnp.bfloat16)
        w_hi = w.astype(jnp.bfloat16)
        w_lo = (w - w_hi.astype(jnp.float32)).astype(jnp.bfloat16)
        acc = jnp.dot(x_hi, w_lo, preferred_element_type=jnp.float32)
        acc = acc + jnp.dot(x_lo, w_hi, preferred_element_type=jnp.float32)
        acc = acc + jnp.dot(x_hi, w_hi, preferred_element_type=jnp.float32)
        f_ref[...] = jnp.maximum(acc + bp_ref[...], 0.0)


def _prep_call(e, g, bt, w, b):
    grid_i = E_EDGES // BLK_MM
    return pl.pallas_call(
        _prep_body,
        grid=(2, grid_i),
        in_specs=[
            pl.BlockSpec((BLK_MM, F), lambda p, i: (i, 0)),
            pl.BlockSpec((1, F), lambda p, i: (0, 0)),
            pl.BlockSpec((1, F), lambda p, i: (0, 0)),
            pl.BlockSpec((F, F), lambda p, i: (0, 0)),
            pl.BlockSpec((1, F), lambda p, i: (0, 0)),
        ],
        out_specs=[
            pl.BlockSpec((F, F), lambda p, i: (0, 0)),
            pl.BlockSpec((1, F), lambda p, i: (0, 0)),
            pl.BlockSpec((BLK_MM, F), lambda p, i: (p * i, 0)),
        ],
        out_shape=[
            jax.ShapeDtypeStruct((F, F), jnp.float32),
            jax.ShapeDtypeStruct((1, F), jnp.float32),
            jax.ShapeDtypeStruct((E_EDGES, F), jnp.float32),
        ],
        scratch_shapes=[
            pltpu.VMEM((1, F), jnp.float32),
            pltpu.VMEM((1, F), jnp.float32),
        ],
    )(e, g, bt, w, b)


def _sc_scatter_body(f_hbm, dst_hbm, zrow_hbm, ones_hbm, seq_hbm,
                     acc_hbm, cnt_hbm,
                     idx0, idx1, val0, val1, one_v, seq_v, acc_sh,
                     si0, si1, sv0, sv1):
    c = lax.axis_index("c")
    s = lax.axis_index("s")
    nk = ROWS_PER_TILE // WB

    pltpu.sync_copy(zrow_hbm, val0)
    pltpu.sync_copy(ones_hbm, one_v)
    pltpu.sync_copy(seq_hbm.at[pl.ds(s * nk, nk), :], seq_v)

    row0 = s * ROWS_PER_TILE
    out0 = c * N_PAD + row0
    base = (c * NS + s) * EDGES_PER_TILE

    def zero_acc():
        for k in range(nk):
            pltpu.async_copy(val0, acc_sh.at[seq_v.at[k]], sv1)
        for k in range(nk):
            pltpu.make_async_copy(val0, acc_sh.at[seq_v.at[k]], sv1).wait()

    def read_acc(dst_ref):
        bufs = (val0, val1)
        sems = (sv0, sv1)
        for k in range(nk):
            b = k % 2
            if k >= 2:
                pltpu.make_async_copy(
                    bufs[b],
                    dst_ref.at[pl.ds(out0 + (k - 2) * WB, WB), :],
                    sems[b]).wait()
            pltpu.sync_copy(acc_sh.at[seq_v.at[k]], bufs[b])
            pltpu.async_copy(bufs[b],
                             dst_ref.at[pl.ds(out0 + k * WB, WB), :], sems[b])
        for k in range(nk - 2, nk):
            b = k % 2
            pltpu.make_async_copy(
                bufs[b], dst_ref.at[pl.ds(out0 + k * WB, WB), :],
                sems[b]).wait()

    def start_fill(chunk, idx_b, val_b, s_i, s_v):
        off = base + chunk * CHUNK
        pltpu.async_copy(dst_hbm.at[pl.ds(off, CHUNK)], idx_b, s_i)
        pltpu.async_copy(f_hbm.at[pl.ds(off, CHUNK), :], val_b, s_v)

    def wait_fill(chunk, idx_b, val_b, s_i, s_v):
        off = base + chunk * CHUNK
        pltpu.make_async_copy(dst_hbm.at[pl.ds(off, CHUNK)], idx_b, s_i).wait()
        pltpu.make_async_copy(f_hbm.at[pl.ds(off, CHUNK), :], val_b, s_v).wait()

    def start_idx(chunk, idx_b, s_i):
        off = base + chunk * CHUNK
        pltpu.async_copy(dst_hbm.at[pl.ds(off, CHUNK)], idx_b, s_i)

    def wait_idx(chunk, idx_b, s_i):
        off = base + chunk * CHUNK
        pltpu.make_async_copy(dst_hbm.at[pl.ds(off, CHUNK)], idx_b, s_i).wait()

    zero_acc()
    plsc.subcore_barrier()

    start_fill(0, idx0, val0, si0, sv0)

    def pair1(p, carry):
        c0 = 2 * p
        start_fill(c0 + 1, idx1, val1, si1, sv1)
        wait_fill(c0, idx0, val0, si0, sv0)
        pltpu.sync_copy(val0, acc_sh.at[idx0], add=True)
        start_fill(c0 + 2, idx0, val0, si0, sv0)
        wait_fill(c0 + 1, idx1, val1, si1, sv1)
        pltpu.sync_copy(val1, acc_sh.at[idx1], add=True)
        return carry

    lax.fori_loop(0, (N_CHUNKS - 1) // 2, pair1, 0)
    wait_fill(N_CHUNKS - 1, idx0, val0, si0, sv0)
    pltpu.sync_copy(val0, acc_sh.at[idx0], add=True)

    plsc.subcore_barrier()
    read_acc(acc_hbm)
    plsc.subcore_barrier()

    pltpu.sync_copy(zrow_hbm, val0)
    pltpu.sync_copy(zrow_hbm, val1)
    zero_acc()
    plsc.subcore_barrier()

    start_idx(0, idx0, si0)

    def pair2(p, carry):
        c0 = 2 * p
        start_idx(c0 + 1, idx1, si1)
        wait_idx(c0, idx0, si0)
        pltpu.sync_copy(one_v, acc_sh.at[idx0], add=True)
        start_idx(c0 + 2, idx0, si0)
        wait_idx(c0 + 1, idx1, si1)
        pltpu.sync_copy(one_v, acc_sh.at[idx1], add=True)
        return carry

    lax.fori_loop(0, (N_CHUNKS - 1) // 2, pair2, 0)
    wait_idx(N_CHUNKS - 1, idx0, si0)
    pltpu.sync_copy(one_v, acc_sh.at[idx0], add=True)

    plsc.subcore_barrier()
    read_acc(cnt_hbm)


@functools.cache
def _sc_scatter_fn():
    mesh = plsc.VectorSubcoreMesh(
        core_axis_name="c", subcore_axis_name="s", num_cores=NC, num_subcores=NS
    )
    return pl.kernel(
        _sc_scatter_body,
        out_type=[
            jax.ShapeDtypeStruct((NC * N_PAD, F), jnp.float32),
            jax.ShapeDtypeStruct((NC * N_PAD, F), jnp.float32),
        ],
        mesh=mesh,
        scratch_types=[
            pltpu.VMEM((CHUNK,), jnp.int32),
            pltpu.VMEM((CHUNK,), jnp.int32),
            pltpu.VMEM((CHUNK, F), jnp.float32),
            pltpu.VMEM((CHUNK, F), jnp.float32),
            pltpu.VMEM((CHUNK, F), jnp.float32),
            pltpu.VMEM((ROWS_PER_TILE // WB, WB), jnp.int32),
            pltpu.VMEM_SHARED((N_PAD, F), jnp.float32),
            pltpu.SemaphoreType.DMA,
            pltpu.SemaphoreType.DMA,
            pltpu.SemaphoreType.DMA,
            pltpu.SemaphoreType.DMA,
        ],
    )


def _combine_body(acc_ref, cnt_ref, o_ref):
    a = acc_ref[0] + acc_ref[1]
    n = cnt_ref[0, :, 0:1] + cnt_ref[1, :, 0:1]
    o_ref[...] = a / jnp.maximum(n, 1.0)


def _combine_call(acc, cnt):
    grid = N_NODES // BLK_CMB
    return pl.pallas_call(
        _combine_body,
        grid=(grid,),
        in_specs=[
            pl.BlockSpec((NC, BLK_CMB, F), lambda i: (0, i, 0)),
            pl.BlockSpec((NC, BLK_CMB, F), lambda i: (0, i, 0)),
        ],
        out_specs=pl.BlockSpec((BLK_CMB, F), lambda i: (i, 0)),
        out_shape=jax.ShapeDtypeStruct((N_NODES, F), jnp.float32),
    )(acc, cnt)


def kernel(e, edge_index, gamma, beta, W, b):
    dst = edge_index[1].astype(jnp.int32)
    g = gamma.reshape(1, F)
    bt = beta.reshape(1, F)
    b2 = b.reshape(1, F)

    _, _, f = _prep_call(e, g, bt, W, b2)

    zrow = jnp.zeros((WB, F), jnp.float32)
    ones = jnp.ones((CHUNK, F), jnp.float32)
    seq = jnp.arange(N_PAD, dtype=jnp.int32).reshape(-1, WB)
    acc, cnt = _sc_scatter_fn()(f, dst, zrow, ones, seq)
    return _combine_call(acc.reshape(NC, N_PAD, F),
                         cnt.reshape(NC, N_PAD, F))

# --- scband reference (transcript-rebuilt; emitter-appended) ---
"""Pipeline reference for scband-nnencoder-74844100100208 (READ-ONLY COPY).

The authoritative reference and input builder live on the scoring server;
editing this copy changes nothing except your own understanding.
"""

import jax, jax.numpy as jnp
import numpy as np

N_NODES = 10000
E_EDGES = 320000
IN_FEATS = 128
OUT_FEATS = 128
EPS = 1e-5


def setup_inputs(seed: int = 0) -> dict:
    key = jax.random.key(seed)
    k1, k2, k3, k4 = jax.random.split(key, 4)
    e = jax.random.normal(k1, (E_EDGES, IN_FEATS), dtype=jnp.float32)
    edge_index = jax.random.randint(k2, (2, E_EDGES), 0, N_NODES, dtype=jnp.int64)
    # BatchNorm1d affine params
    gamma = jnp.ones((IN_FEATS,), dtype=jnp.float32)
    beta = jnp.zeros((IN_FEATS,), dtype=jnp.float32)
    # Linear layer params
    W = jax.random.normal(k3, (IN_FEATS, OUT_FEATS), dtype=jnp.float32) * (1.0 / np.sqrt(IN_FEATS))
    b = jax.random.normal(k4, (OUT_FEATS,), dtype=jnp.float32) * 0.01
    return {"e": e, "edge_index": edge_index, "gamma": gamma, "beta": beta, "W": W, "b": b}


def reference(e, edge_index, gamma, beta, W, b):
    # BatchNorm1d (training mode: batch statistics over edge dim)
    mean = jnp.mean(e, axis=0)
    var = jnp.mean((e - mean) ** 2, axis=0)
    xn = (e - mean) / jnp.sqrt(var + EPS)
    xn = xn * gamma + beta
    # Linear + ReLU -> edge messages
    f = jax.nn.relu(xn @ W + b)
    # update_all(copy_e, mean): mean of incoming edge messages per dst node
    dst = edge_index[1]
    s = jax.ops.segment_sum(f, dst, num_segments=N_NODES)
    cnt = jax.ops.segment_sum(jnp.ones((E_EDGES,), dtype=jnp.float32), dst, num_segments=N_NODES)
    h = s / jnp.maximum(cnt, 1.0)[:, None]
    return h

if __name__ == "__main__":
    import jax
    _d = setup_inputs()
    print(jax.jit(kernel)(*tuple(_d.values())))

</pallas_src>

<mosaic_0001>
#map = affine_map<(d0, d1) -> (0, 0)>
#map1 = affine_map<(d0, d1) -> (0)>
module attributes {stable_mosaic.version = 14 : i64} {
  func.func @_sc_scatter_body(%arg0: i32, %arg1: i32, %arg2: memref<320000x128xf32, #tpu.memory_space<hbm>>, %arg3: memref<320000xi32, #tpu.memory_space<hbm>>, %arg4: memref<80x128xf32, #tpu.memory_space<hbm>>, %arg5: memref<80x128xf32, #tpu.memory_space<hbm>>, %arg6: memref<128x80xi32, #tpu.memory_space<hbm>>, %arg7: memref<20480x128xf32, #tpu.memory_space<hbm>>, %arg8: memref<20480x128xf32, #tpu.memory_space<hbm>>, %arg9: memref<80xi32, #tpu.memory_space<vmem>>, %arg10: memref<80xi32, #tpu.memory_space<vmem>>, %arg11: memref<80x128xf32, #tpu.memory_space<vmem>>, %arg12: memref<80x128xf32, #tpu.memory_space<vmem>>, %arg13: memref<80x128xf32, #tpu.memory_space<vmem>>, %arg14: memref<8x80xi32, #tpu.memory_space<vmem>>, %arg15: memref<10240x128xf32, #tpu.memory_space<vmem_shared>>, %arg16: memref<!tpu.dma_semaphore, #tpu.memory_space<semaphore_mem>>, %arg17: memref<!tpu.dma_semaphore, #tpu.memory_space<semaphore_mem>>, %arg18: memref<!tpu.dma_semaphore, #tpu.memory_space<semaphore_mem>>, %arg19: memref<!tpu.dma_semaphore, #tpu.memory_space<semaphore_mem>>) attributes {dimension_semantics = [#tpu.dimension_semantics<core_parallel>, #tpu.dimension_semantics<subcore_parallel>], iteration_bounds = array<i64: 2, 16>, scalar_prefetch = 0 : i64, scratch_operands = 11 : i64, tpu.core_type = #tpu.core_type<sc_vector_subcore>, window_params = [{transform_indices = #map}, {transform_indices = #map1}, {transform_indices = #map}, {transform_indices = #map}, {transform_indices = #map}, {transform_indices = #map}, {transform_indices = #map}]} {
    "tpu.region"() ({
      %run_scoped3A_478 = tpu.sem_alloc : memref<!tpu.dma_semaphore, #tpu.memory_space<semaphore_mem>>
      tpu.enqueue_dma source(%arg4 : memref<80x128xf32, #tpu.memory_space<hbm>>) target(%arg11 : memref<80x128xf32, #tpu.memory_space<vmem>>) target_semaphore(%run_scoped3A_478 : memref<!tpu.dma_semaphore, #tpu.memory_space<semaphore_mem>>)
      tpu.wait_dma2 semaphore(%run_scoped3A_478 : memref<!tpu.dma_semaphore, #tpu.memory_space<semaphore_mem>>) src(%arg4 : memref<80x128xf32, #tpu.memory_space<hbm>>) dst(%arg11 : memref<80x128xf32, #tpu.memory_space<vmem>>)
      tpu.yield
    }) : () -> ()
    "tpu.region"() ({
      %run_scoped3A_478 = tpu.sem_alloc : memref<!tpu.dma_semaphore, #tpu.memory_space<semaphore_mem>>
      tpu.enqueue_dma source(%arg5 : memref<80x128xf32, #tpu.memory_space<hbm>>) target(%arg13 : memref<80x128xf32, #tpu.memory_space<vmem>>) target_semaphore(%run_scoped3A_478 : memref<!tpu.dma_semaphore, #tpu.memory_space<semaphore_mem>>)
      tpu.wait_dma2 semaphore(%run_scoped3A_478 : memref<!tpu.dma_semaphore, #tpu.memory_space<semaphore_mem>>) src(%arg5 : memref<80x128xf32, #tpu.memory_space<hbm>>) dst(%arg13 : memref<80x128xf32, #tpu.memory_space<vmem>>)
      tpu.yield
    }) : () -> ()
    %mul3A = arith.constant 8 : i32
    %mul3A_0 = arith.muli %arg1, %mul3A : i32
    "tpu.region"() ({
      %run_scoped3A_478 = tpu.sem_alloc : memref<!tpu.dma_semaphore, #tpu.memory_space<semaphore_mem>>
      %dma_start3A_479 = arith.constant 0 : i32
      %dma_start3A_480 = tpu.memref_slice %arg6[%mul3A_0, %dma_start3A_479] : memref<128x80xi32, #tpu.memory_space<hbm>> -> memref<8x80xi32, #tpu.memory_space<hbm>>
      %dma_start3A_481 = arith.constant 0 : i32
      %dma_start3A_482 = tpu.memref_slice %arg6[%mul3A_0, %dma_start3A_481] : memref<128x80xi32, #tpu.memory_space<hbm>> -> memref<8x80xi32, #tpu.memory_space<hbm>>
      tpu.enqueue_dma source(%dma_start3A_482 : memref<8x80xi32, #tpu.memory_space<hbm>>) target(%arg14 : memref<8x80xi32, #tpu.memory_space<vmem>>) target_semaphore(%run_scoped3A_478 : memref<!tpu.dma_semaphore, #tpu.memory_space<semaphore_mem>>)
      %dma_wait3A_483 = arith.constant 0 : i32
      %dma_wait3A_484 = tpu.memref_slice %arg6[%mul3A_0, %dma_wait3A_483] : memref<128x80xi32, #tpu.memory_space<hbm>> -> memref<8x80xi32, #tpu.memory_space<hbm>>
      %dma_wait3A_485 = arith.constant 0 : i32
      %dma_wait3A_486 = tpu.memref_slice %arg6[%mul3A_0, %dma_wait3A_485] : memref<128x80xi32, #tpu.memory_space<hbm>> -> memref<8x80xi32, #tpu.memory_space<hbm>>
      tpu.wait_dma2 semaphore(%run_scoped3A_478 : memref<!tpu.dma_semaphore, #tpu.memory_space<semaphore_mem>>) src(%dma_wait3A_486 : memref<8x80xi32, #tpu.memory_space<hbm>>) dst(%arg14 : memref<8x80xi32, #tpu.memory_space<vmem>>)
      tpu.yield
    }) : () -> ()
    %mul3A_1 = arith.constant 640 : i32
    %mul3A_2 = arith.muli %arg1, %mul3A_1 : i32
    %mul3A_3 = arith.constant 10240 : i32
    %mul3A_4 = arith.muli %arg0, %mul3A_3 : i32
    %add3A = arith.addi %mul3A_4, %mul3A_2 : i32
    %mul3A_5 = arith.constant 16 : i32
    %mul3A_6 = arith.muli %arg0, %mul3A_5 : i32
    %add3A_7 = arith.addi %mul3A_6, %arg1 : i32
    %mul3A_8 = arith.constant 10000 : i32
    %mul3A_9 = arith.muli %add3A_7, %mul3A_8 : i32
    %dma_start3A = arith.constant 0 : i32
    %dma_start3A_10 = arith.constant 0 : i32
    %dma_start3A_11 = tpu.memref_slice %arg14[%dma_start3A, %dma_start3A_10] : memref<8x80xi32, #tpu.memory_space<vmem>> -> memref<1x80xi32, #tpu.memory_space<vmem>>
    %dma_start3A_12 = tpu.memref_squeeze %dma_start3A_11 : memref<1x80xi32, #tpu.memory_space<vmem>> -> memref<80xi32, #tpu.memory_space<vmem>>
    %dma_start3A_13 = arith.constant 0 : i32
    %dma_start3A_14 = arith.constant 0 : i32
    %dma_start3A_15 = tpu.memref_slice %arg15[%dma_start3A_13, %dma_start3A_14] : memref<10240x128xf32, #tpu.memory_space<vmem_shared>> -> memref<10240x128xf32, #tpu.memory_space<vmem_shared>>
    tpu.enqueue_indirect_dma source(%arg11 : memref<80x128xf32, #tpu.memory_space<vmem>>) target(%dma_start3A_15 : memref<10240x128xf32, #tpu.memory_space<vmem_shared>>) offsets(%dma_start3A_12 : memref<80xi32, #tpu.memory_space<vmem>>) semaphore(%arg19 : memref<!tpu.dma_semaphore, #tpu.memory_space<semaphore_mem>>)
    %dma_start3A_16 = arith.constant 1 : i32
    %dma_start3A_17 = arith.constant 0 : i32
    %dma_start3A_18 = tpu.memref_slice %arg14[%dma_start3A_16, %dma_start3A_17] : memref<8x80xi32, #tpu.memory_space<vmem>> -> memref<1x80xi32, #tpu.memory_space<vmem>>
    %dma_start3A_19 = tpu.memref_squeeze %dma_start3A_18 : memref<1x80xi32, #tpu.memory_space<vmem>> -> memref<80xi32, #tpu.memory_space<vmem>>
    %dma_start3A_20 = arith.constant 0 : i32
    %dma_start3A_21 = arith.constant 0 : i32
    %dma_start3A_22 = tpu.memref_slice %arg15[%dma_start3A_20, %dma_start3A_21] : memref<10240x128xf32, #tpu.memory_space<vmem_shared>> -> memref<10240x128xf32, #tpu.memory_space<vmem_shared>>
    tpu.enqueue_indirect_dma source(%arg11 : memref<80x128xf32, #tpu.memory_space<vmem>>) target(%dma_start3A_22 : memref<10240x128xf32, #tpu.memory_space<vmem_shared>>) offsets(%dma_start3A_19 : memref<80xi32, #tpu.memory_space<vmem>>) semaphore(%arg19 : memref<!tpu.dma_semaphore, #tpu.memory_space<semaphore_mem>>)
    %dma_start3A_23 = arith.constant 2 : i32
    %dma_start3A_24 = arith.constant 0 : i32
    %dma_start3A_25 = tpu.memref_slice %arg14[%dma_start3A_23, %dma_start3A_24] : memref<8x80xi32, #tpu.memory_space<vmem>> -> memref<1x80xi32, #tpu.memory_space<vmem>>
    %dma_start3A_26 = tpu.memref_squeeze %dma_start3A_25 : memref<1x80xi32, #tpu.memory_space<vmem>> -> memref<80xi32, #tpu.memory_space<vmem>>
    %dma_start3A_27 = arith.constant 0 : i32
    %dma_start3A_28 = arith.constant 0 : i32
    %dma_start3A_29 = tpu.memref_slice %arg15[%dma_start3A_27, %dma_start3A_28] : memref<10240x128xf32, #tpu.memory_space<vmem_shared>> -> memref<10240x128xf32, #tpu.memory_space<vmem_shared>>
    tpu.enqueue_indirect_dma source(%arg11 : memref<80x128xf32, #tpu.memory_space<vmem>>) target(%dma_start3A_29 : memref<10240x128xf32, #tpu.memory_space<vmem_shared>>) offsets(%dma_start3A_26 : memref<80xi32, #tpu.memory_space<vmem>>) semaphore(%arg19 : memref<!tpu.dma_semaphore, #tpu.memory_space<semaphore_mem>>)
    %dma_start3A_30 = arith.constant 3 : i32
    %dma_start3A_31 = arith.constant 0 : i32
    %dma_start3A_32 = tpu.memref_slice %arg14[%dma_start3A_30, %dma_start3A_31] : memref<8x80xi32, #tpu.memory_space<vmem>> -> memref<1x80xi32, #tpu.memory_space<vmem>>
    %dma_start3A_33 = tpu.memref_squeeze %dma_start3A_32 : memref<1x80xi32, #tpu.memory_space<vmem>> -> memref<80xi32, #tpu.memory_space<vmem>>
    %dma_start3A_34 = arith.constant 0 : i32
    %dma_start3A_35 = arith.constant 0 : i32
    %dma_start3A_36 = tpu.memref_slice %arg15[%dma_start3A_34, %dma_start3A_35] : memref<10240x128xf32, #tpu.memory_space<vmem_shared>> -> memref<10240x128xf32, #tpu.memory_space<vmem_shared>>
    tpu.enqueue_indirect_dma source(%arg11 : memref<80x128xf32, #tpu.memory_space<vmem>>) target(%dma_start3A_36 : memref<10240x128xf32, #tpu.memory_space<vmem_shared>>) offsets(%dma_start3A_33 : memref<80xi32, #tpu.memory_space<vmem>>) semaphore(%arg19 : memref<!tpu.dma_semaphore, #tpu.memory_space<semaphore_mem>>)
    %dma_start3A_37 = arith.constant 4 : i32
    %dma_start3A_38 = arith.constant 0 : i32
    %dma_start3A_39 = tpu.memref_slice %arg14[%dma_start3A_37, %dma_start3A_38] : memref<8x80xi32, #tpu.memory_space<vmem>> -> memref<1x80xi32, #tpu.memory_space<vmem>>
    %dma_start3A_40 = tpu.memref_squeeze %dma_start3A_39 : memref<1x80xi32, #tpu.memory_space<vmem>> -> memref<80xi32, #tpu.memory_space<vmem>>
    %dma_start3A_41 = arith.constant 0 : i32
    %dma_start3A_42 = arith.constant 0 : i32
    %dma_start3A_43 = tpu.memref_slice %arg15[%dma_start3A_41, %dma_start3A_42] : memref<10240x128xf32, #tpu.memory_space<vmem_shared>> -> memref<10240x128xf32, #tpu.memory_space<vmem_shared>>
    tpu.enqueue_indirect_dma source(%arg11 : memref<80x128xf32, #tpu.memory_space<vmem>>) target(%dma_start3A_43 : memref<10240x128xf32, #tpu.memory_space<vmem_shared>>) offsets(%dma_start3A_40 : memref<80xi32, #tpu.memory_space<vmem>>) semaphore(%arg19 : memref<!tpu.dma_semaphore, #tpu.memory_space<semaphore_mem>>)
    %dma_start3A_44 = arith.constant 5 : i32
    %dma_start3A_45 = arith.constant 0 : i32
    %dma_start3A_46 = tpu.memref_slice %arg14[%dma_start3A_44, %dma_start3A_45] : memref<8x80xi32, #tpu.memory_space<vmem>> -> memref<1x80xi32, #tpu.memory_space<vmem>>
    %dma_start3A_47 = tpu.memref_squeeze %dma_start3A_46 : memref<1x80xi32, #tpu.memory_space<vmem>> -> memref<80xi32, #tpu.memory_space<vmem>>
    %dma_start3A_48 = arith.constant 0 : i32
    %dma_start3A_49 = arith.constant 0 : i32
    %dma_start3A_50 = tpu.memref_slice %arg15[%dma_start3A_48, %dma_start3A_49] : memref<10240x128xf32, #tpu.memory_space<vmem_shared>> -> memref<10240x128xf32, #tpu.memory_space<vmem_shared>>
    tpu.enqueue_indirect_dma source(%arg11 : memref<80x128xf32, #tpu.memory_space<vmem>>) target(%dma_start3A_50 : memref<10240x128xf32, #tpu.memory_space<vmem_shared>>) offsets(%dma_start3A_47 : memref<80xi32, #tpu.memory_space<vmem>>) semaphore(%arg19 : memref<!tpu.dma_semaphore, #tpu.memory_space<semaphore_mem>>)
    %dma_start3A_51 = arith.constant 6 : i32
    %dma_start3A_52 = arith.constant 0 : i32
    %dma_start3A_53 = tpu.memref_slice %arg14[%dma_start3A_51, %dma_start3A_52] : memref<8x80xi32, #tpu.memory_space<vmem>> -> memref<1x80xi32, #tpu.memory_space<vmem>>
    %dma_start3A_54 = tpu.memref_squeeze %dma_start3A_53 : memref<1x80xi32, #tpu.memory_space<vmem>> -> memref<80xi32, #tpu.memory_space<vmem>>
    %dma_start3A_55 = arith.constant 0 : i32
    %dma_start3A_56 = arith.constant 0 : i32
    %dma_start3A_57 = tpu.memref_slice %arg15[%dma_start3A_55, %dma_start3A_56] : memref<10240x128xf32, #tpu.memory_space<vmem_shared>> -> memref<10240x128xf32, #tpu.memory_space<vmem_shared>>
    tpu.enqueue_indirect_dma source(%arg11 : memref<80x128xf32, #tpu.memory_space<vmem>>) target(%dma_start3A_57 : memref<10240x128xf32, #tpu.memory_space<vmem_shared>>) offsets(%dma_start3A_54 : memref<80xi32, #tpu.memory_space<vmem>>) semaphore(%arg19 : memref<!tpu.dma_semaphore, #tpu.memory_space<semaphore_mem>>)
    %dma_start3A_58 = arith.constant 7 : i32
    %dma_start3A_59 = arith.constant 0 : i32
    %dma_start3A_60 = tpu.memref_slice %arg14[%dma_start3A_58, %dma_start3A_59] : memref<8x80xi32, #tpu.memory_space<vmem>> -> memref<1x80xi32, #tpu.memory_space<vmem>>
    %dma_start3A_61 = tpu.memref_squeeze %dma_start3A_60 : memref<1x80xi32, #tpu.memory_space<vmem>> -> memref<80xi32, #tpu.memory_space<vmem>>
    %dma_start3A_62 = arith.constant 0 : i32
    %dma_start3A_63 = arith.constant 0 : i32
    %dma_start3A_64 = tpu.memref_slice %arg15[%dma_start3A_62, %dma_start3A_63] : memref<10240x128xf32, #tpu.memory_space<vmem_shared>> -> memref<10240x128xf32, #tpu.memory_space<vmem_shared>>
    tpu.enqueue_indirect_dma source(%arg11 : memref<80x128xf32, #tpu.memory_space<vmem>>) target(%dma_start3A_64 : memref<10240x128xf32, #tpu.memory_space<vmem_shared>>) offsets(%dma_start3A_61 : memref<80xi32, #tpu.memory_space<vmem>>) semaphore(%arg19 : memref<!tpu.dma_semaphore, #tpu.memory_space<semaphore_mem>>)
    %dma_wait3A = arith.constant 0 : i32
    %dma_wait3A_65 = arith.constant 0 : i32
    %dma_wait3A_66 = tpu.memref_slice %arg14[%dma_wait3A, %dma_wait3A_65] : memref<8x80xi32, #tpu.memory_space<vmem>> -> memref<1x80xi32, #tpu.memory_space<vmem>>
    %dma_wait3A_67 = tpu.memref_squeeze %dma_wait3A_66 : memref<1x80xi32, #tpu.memory_space<vmem>> -> memref<80xi32, #tpu.memory_space<vmem>>
    %dma_wait3A_68 = arith.constant 0 : i32
    %dma_wait3A_69 = arith.constant 0 : i32
    %dma_wait3A_70 = tpu.memref_slice %arg15[%dma_wait3A_68, %dma_wait3A_69] : memref<10240x128xf32, #tpu.memory_space<vmem_shared>> -> memref<10240x128xf32, #tpu.memory_space<vmem_shared>>
    tpu.wait_indirect_dma semaphore(%arg19 : memref<!tpu.dma_semaphore, #tpu.memory_space<semaphore_mem>>) src(%arg11 : memref<80x128xf32, #tpu.memory_space<vmem>>) dst(%dma_wait3A_70 : memref<10240x128xf32, #tpu.memory_space<vmem_shared>>)
    %dma_wait3A_71 = arith.constant 1 : i32
    %dma_wait3A_72 = arith.constant 0 : i32
    %dma_wait3A_73 = tpu.memref_slice %arg14[%dma_wait3A_71, %dma_wait3A_72] : memref<8x80xi32, #tpu.memory_space<vmem>> -> memref<1x80xi32, #tpu.memory_space<vmem>>
    %dma_wait3A_74 = tpu.memref_squeeze %dma_wait3A_73 : memref<1x80xi32, #tpu.memory_space<vmem>> -> memref<80xi32, #tpu.memory_space<vmem>>
    %dma_wait3A_75 = arith.constant 0 : i32
    %dma_wait3A_76 = arith.constant 0 : i32
    %dma_wait3A_77 = tpu.memref_slice %arg15[%dma_wait3A_75, %dma_wait3A_76] : memref<10240x128xf32, #tpu.memory_space<vmem_shared>> -> memref<10240x128xf32, #tpu.memory_space<vmem_shared>>
    tpu.wait_indirect_dma semaphore(%arg19 : memref<!tpu.dma_semaphore, #tpu.memory_space<semaphore_mem>>) src(%arg11 : memref<80x128xf32, #tpu.memory_space<vmem>>) dst(%dma_wait3A_77 : memref<10240x128xf32, #tpu.memory_space<vmem_shared>>)
    %dma_wait3A_78 = arith.constant 2 : i32
    %dma_wait3A_79 = arith.constant 0 : i32
    %dma_wait3A_80 = tpu.memref_slice %arg14[%dma_wait3A_78, %dma_wait3A_79] : memref<8x80xi32, #tpu.memory_space<vmem>> -> memref<1x80xi32, #tpu.memory_space<vmem>>
    %dma_wait3A_81 = tpu.memref_squeeze %dma_wait3A_80 : memref<1x80xi32, #tpu.memory_space<vmem>> -> memref<80xi32, #tpu.memory_space<vmem>>
    %dma_wait3A_82 = arith.constant 0 : i32
    %dma_wait3A_83 = arith.constant 0 : i32
    %dma_wait3A_84 = tpu.memref_slice %arg15[%dma_wait3A_82, %dma_wait3A_83] : memref<10240x128xf32, #tpu.memory_space<vmem_shared>> -> memref<10240x128xf32, #tpu.memory_space<vmem_shared>>
    tpu.wait_indirect_dma semaphore(%arg19 : memref<!tpu.dma_semaphore, #tpu.memory_space<semaphore_mem>>) src(%arg11 : memref<80x128xf32, #tpu.memory_space<vmem>>) dst(%dma_wait3A_84 : memref<10240x128xf32, #tpu.memory_space<vmem_shared>>)
    %dma_wait3A_85 = arith.constant 3 : i32
    %dma_wait3A_86 = arith.constant 0 : i32
    %dma_wait3A_87 = tpu.memref_slice %arg14[%dma_wait3A_85, %dma_wait3A_86] : memref<8x80xi32, #tpu.memory_space<vmem>> -> memref<1x80xi32, #tpu.memory_space<vmem>>
    %dma_wait3A_88 = tpu.memref_squeeze %dma_wait3A_87 : memref<1x80xi32, #tpu.memory_space<vmem>> -> memref<80xi32, #tpu.memory_space<vmem>>
    %dma_wait3A_89 = arith.constant 0 : i32
    %dma_wait3A_90 = arith.constant 0 : i32
    %dma_wait3A_91 = tpu.memref_slice %arg15[%dma_wait3A_89, %dma_wait3A_90] : memref<10240x128xf32, #tpu.memory_space<vmem_shared>> -> memref<10240x128xf32, #tpu.memory_space<vmem_shared>>
    tpu.wait_indirect_dma semaphore(%arg19 : memref<!tpu.dma_semaphore, #tpu.memory_space<semaphore_mem>>) src(%arg11 : memref<80x128xf32, #tpu.memory_space<vmem>>) dst(%dma_wait3A_91 : memref<10240x128xf32, #tpu.memory_space<vmem_shared>>)
    %dma_wait3A_92 = arith.constant 4 : i32
    %dma_wait3A_93 = arith.constant 0 : i32
    %dma_wait3A_94 = tpu.memref_slice %arg14[%dma_wait3A_92, %dma_wait3A_93] : memref<8x80xi32, #tpu.memory_space<vmem>> -> memref<1x80xi32, #tpu.memory_space<vmem>>
    %dma_wait3A_95 = tpu.memref_squeeze %dma_wait3A_94 : memref<1x80xi32, #tpu.memory_space<vmem>> -> memref<80xi32, #tpu.memory_space<vmem>>
    %dma_wait3A_96 = arith.constant 0 : i32
    %dma_wait3A_97 = arith.constant 0 : i32
    %dma_wait3A_98 = tpu.memref_slice %arg15[%dma_wait3A_96, %dma_wait3A_97] : memref<10240x128xf32, #tpu.memory_space<vmem_shared>> -> memref<10240x128xf32, #tpu.memory_space<vmem_shared>>
    tpu.wait_indirect_dma semaphore(%arg19 : memref<!tpu.dma_semaphore, #tpu.memory_space<semaphore_mem>>) src(%arg11 : memref<80x128xf32, #tpu.memory_space<vmem>>) dst(%dma_wait3A_98 : memref<10240x128xf32, #tpu.memory_space<vmem_shared>>)
    %dma_wait3A_99 = arith.constant 5 : i32
    %dma_wait3A_100 = arith.constant 0 : i32
    %dma_wait3A_101 = tpu.memref_slice %arg14[%dma_wait3A_99, %dma_wait3A_100] : memref<8x80xi32, #tpu.memory_space<vmem>> -> memref<1x80xi32, #tpu.memory_space<vmem>>
    %dma_wait3A_102 = tpu.memref_squeeze %dma_wait3A_101 : memref<1x80xi32, #tpu.memory_space<vmem>> -> memref<80xi32, #tpu.memory_space<vmem>>
    %dma_wait3A_103 = arith.constant 0 : i32
    %dma_wait3A_104 = arith.constant 0 : i32
    %dma_wait3A_105 = tpu.memref_slice %arg15[%dma_wait3A_103, %dma_wait3A_104] : memref<10240x128xf32, #tpu.memory_space<vmem_shared>> -> memref<10240x128xf32, #tpu.memory_space<vmem_shared>>
    tpu.wait_indirect_dma semaphore(%arg19 : memref<!tpu.dma_semaphore, #tpu.memory_space<semaphore_mem>>) src(%arg11 : memref<80x128xf32, #tpu.memory_space<vmem>>) dst(%dma_wait3A_105 : memref<10240x128xf32, #tpu.memory_space<vmem_shared>>)
    %dma_wait3A_106 = arith.constant 6 : i32
    %dma_wait3A_107 = arith.constant 0 : i32
    %dma_wait3A_108 = tpu.memref_slice %arg14[%dma_wait3A_106, %dma_wait3A_107] : memref<8x80xi32, #tpu.memory_space<vmem>> -> memref<1x80xi32, #tpu.memory_space<vmem>>
    %dma_wait3A_109 = tpu.memref_squeeze %dma_wait3A_108 : memref<1x80xi32, #tpu.memory_space<vmem>> -> memref<80xi32, #tpu.memory_space<vmem>>
    %dma_wait3A_110 = arith.constant 0 : i32
    %dma_wait3A_111 = arith.constant 0 : i32
    %dma_wait3A_112 = tpu.memref_slice %arg15[%dma_wait3A_110, %dma_wait3A_111] : memref<10240x128xf32, #tpu.memory_space<vmem_shared>> -> memref<10240x128xf32, #tpu.memory_space<vmem_shared>>
    tpu.wait_indirect_dma semaphore(%arg19 : memref<!tpu.dma_semaphore, #tpu.memory_space<semaphore_mem>>) src(%arg11 : memref<80x128xf32, #tpu.memory_space<vmem>>) dst(%dma_wait3A_112 : memref<10240x128xf32, #tpu.memory_space<vmem_shared>>)
    %dma_wait3A_113 = arith.constant 7 : i32
    %dma_wait3A_114 = arith.constant 0 : i32
    %dma_wait3A_115 = tpu.memref_slice %arg14[%dma_wait3A_113, %dma_wait3A_114] : memref<8x80xi32, #tpu.memory_space<vmem>> -> memref<1x80xi32, #tpu.memory_space<vmem>>
    %dma_wait3A_116 = tpu.memref_squeeze %dma_wait3A_115 : memref<1x80xi32, #tpu.memory_space<vmem>> -> memref<80xi32, #tpu.memory_space<vmem>>
    %dma_wait3A_117 = arith.constant 0 : i32
    %dma_wait3A_118 = arith.constant 0 : i32
    %dma_wait3A_119 = tpu.memref_slice %arg15[%dma_wait3A_117, %dma_wait3A_118] : memref<10240x128xf32, #tpu.memory_space<vmem_shared>> -> memref<10240x128xf32, #tpu.memory_space<vmem_shared>>
    tpu.wait_indirect_dma semaphore(%arg19 : memref<!tpu.dma_semaphore, #tpu.memory_space<semaphore_mem>>) src(%arg11 : memref<80x128xf32, #tpu.memory_space<vmem>>) dst(%dma_wait3A_119 : memref<10240x128xf32, #tpu.memory_space<vmem_shared>>)
    %barrier3A = arith.constant 0 : index
    tpu.barrier barrier_id(%barrier3A)
    %add3A_120 = arith.constant 0 : i32
    %add3A_121 = arith.addi %mul3A_9, %add3A_120 : i32
    %dma_start3A_122 = tpu.memref_slice %arg3[%add3A_121] : memref<320000xi32, #tpu.memory_space<hbm>> -> memref<80xi32, #tpu.memory_space<hbm>>
    %dma_start3A_123 = tpu.memref_slice %arg3[%add3A_121] : memref<320000xi32, #tpu.memory_space<hbm>> -> memref<80xi32, #tpu.memory_space<hbm>>
    tpu.enqueue_dma source(%dma_start3A_123 : memref<80xi32, #tpu.memory_space<hbm>>) target(%arg9 : memref<80xi32, #tpu.memory_space<vmem>>) target_semaphore(%arg16 : memref<!tpu.dma_semaphore, #tpu.memory_space<semaphore_mem>>)
    %dma_start3A_124 = arith.constant 0 : i32
    %dma_start3A_125 = tpu.memref_slice %arg2[%add3A_121, %dma_start3A_124] : memref<320000x128xf32, #tpu.memory_space<hbm>> -> memref<80x128xf32, #tpu.memory_space<hbm>>
    %dma_start3A_126 = arith.constant 0 : i32
    %dma_start3A_127 = tpu.memref_slice %arg2[%add3A_121, %dma_start3A_126] : memref<320000x128xf32, #tpu.memory_space<hbm>> -> memref<80x128xf32, #tpu.memory_space<hbm>>
    tpu.enqueue_dma source(%dma_start3A_127 : memref<80x128xf32, #tpu.memory_space<hbm>>) target(%arg11 : memref<80x128xf32, #tpu.memory_space<vmem>>) target_semaphore(%arg18 : memref<!tpu.dma_semaphore, #tpu.memory_space<semaphore_mem>>)
    %scan3A = arith.constant 0 : i32
    %scan3A_128 = arith.constant 0 : i32
    %scan3A_129 = arith.constant 62 : i32
    %scan3A_130 = arith.addi %scan3A_128, %scan3A_129 : i32
    %scan3A_131 = arith.constant 1 : i32
    scf.for %scan3A_478 = %scan3A_128 to %scan3A_130 step %scan3A_131  : i32 {
      %mul3A_479 = arith.constant 2 : i32
      %mul3A_480 = arith.muli %mul3A_479, %scan3A_478 : i32
      %add3A_481 = arith.constant 1 : i32
      %add3A_482 = arith.addi %mul3A_480, %add3A_481 : i32
      %mul3A_483 = arith.constant 80 : i32
      %mul3A_484 = arith.muli %add3A_482, %mul3A_483 : i32
      %add3A_485 = arith.addi %mul3A_9, %mul3A_484 : i32
      %dma_start3A_486 = tpu.memref_slice %arg3[%add3A_485] : memref<320000xi32, #tpu.memory_space<hbm>> -> memref<80xi32, #tpu.memory_space<hbm>>
      %dma_start3A_487 = tpu.memref_slice %arg3[%add3A_485] : memref<320000xi32, #tpu.memory_space<hbm>> -> memref<80xi32, #tpu.memory_space<hbm>>
      tpu.enqueue_dma source(%dma_start3A_487 : memref<80xi32, #tpu.memory_space<hbm>>) target(%arg10 : memref<80xi32, #tpu.memory_space<vmem>>) target_semaphore(%arg17 : memref<!tpu.dma_semaphore, #tpu.memory_space<semaphore_mem>>)
      %dma_start3A_488 = arith.constant 0 : i32
      %dma_start3A_489 = tpu.memref_slice %arg2[%add3A_485, %dma_start3A_488] : memref<320000x128xf32, #tpu.memory_space<hbm>> -> memref<80x128xf32, #tpu.memory_space<hbm>>
      %dma_start3A_490 = arith.constant 0 : i32
      %dma_start3A_491 = tpu.memref_slice %arg2[%add3A_485, %dma_start3A_490] : memref<320000x128xf32, #tpu.memory_space<hbm>> -> memref<80x128xf32, #tpu.memory_space<hbm>>
      tpu.enqueue_dma source(%dma_start3A_491 : memref<80x128xf32, #tpu.memory_space<hbm>>) target(%arg12 : memref<80x128xf32, #tpu.memory_space<vmem>>) target_semaphore(%arg19 : memref<!tpu.dma_semaphore, #tpu.memory_space<semaphore_mem>>)
      %mul3A_492 = arith.constant 80 : i32
      %mul3A_493 = arith.muli %mul3A_480, %mul3A_492 : i32
      %add3A_494 = arith.addi %mul3A_9, %mul3A_493 : i32
      %dma_wait3A_495 = tpu.memref_slice %arg3[%add3A_494] : memref<320000xi32, #tpu.memory_space<hbm>> -> memref<80xi32, #tpu.memory_space<hbm>>
      %dma_wait3A_496 = tpu.memref_slice %arg3[%add3A_494] : memref<320000xi32, #tpu.memory_space<hbm>> -> memref<80xi32, #tpu.memory_space<hbm>>
      tpu.wait_dma2 semaphore(%arg16 : memref<!tpu.dma_semaphore, #tpu.memory_space<semaphore_mem>>) src(%dma_wait3A_496 : memref<80xi32, #tpu.memory_space<hbm>>) dst(%arg9 : memref<80xi32, #tpu.memory_space<vmem>>)
      %dma_wait3A_497 = arith.constant 0 : i32
      %dma_wait3A_498 = tpu.memref_slice %arg2[%add3A_494, %dma_wait3A_497] : memref<320000x128xf32, #tpu.memory_space<hbm>> -> memref<80x128xf32, #tpu.memory_space<hbm>>
      %dma_wait3A_499 = arith.constant 0 : i32
      %dma_wait3A_500 = tpu.memref_slice %arg2[%add3A_494, %dma_wait3A_499] : memref<320000x128xf32, #tpu.memory_space<hbm>> -> memref<80x128xf32, #tpu.memory_space<hbm>>
      tpu.wait_dma2 semaphore(%arg18 : memref<!tpu.dma_semaphore, #tpu.memory_space<semaphore_mem>>) src(%dma_wait3A_500 : memref<80x128xf32, #tpu.memory_space<hbm>>) dst(%arg11 : memref<80x128xf32, #tpu.memory_space<vmem>>)
      "tpu.region"() ({
        %run_scoped3A_523 = tpu.sem_alloc : memref<!tpu.dma_semaphore, #tpu.memory_space<semaphore_mem>>
        %dma_start3A_524 = arith.constant 0 : i32
        %dma_start3A_525 = arith.constant 0 : i32
        %dma_start3A_526 = tpu.memref_slice %arg15[%dma_start3A_524, %dma_start3A_525] : memref<10240x128xf32, #tpu.memory_space<vmem_shared>> -> memref<10240x128xf32, #tpu.memory_space<vmem_shared>>
        tpu.enqueue_indirect_dma source(%arg11 : memref<80x128xf32, #tpu.memory_space<vmem>>) target(%dma_start3A_526 : memref<10240x128xf32, #tpu.memory_space<vmem_shared>>) offsets(%arg9 : memref<80xi32, #tpu.memory_space<vmem>>) semaphore(%run_scoped3A_523 : memref<!tpu.dma_semaphore, #tpu.memory_space<semaphore_mem>>) {add = true}
        %dma_wait3A_527 = arith.constant 0 : i32
        %dma_wait3A_528 = arith.constant 0 : i32
        %dma_wait3A_529 = tpu.memref_slice %arg15[%dma_wait3A_527, %dma_wait3A_528] : memref<10240x128xf32, #tpu.memory_space<vmem_shared>> -> memref<10240x128xf32, #tpu.memory_space<vmem_shared>>
        tpu.wait_indirect_dma semaphore(%run_scoped3A_523 : memref<!tpu.dma_semaphore, #tpu.memory_space<semaphore_mem>>) src(%arg11 : memref<80x128xf32, #tpu.memory_space<vmem>>) dst(%dma_wait3A_529 : memref<10240x128xf32, #tpu.memory_space<vmem_shared>>)
        tpu.yield
      }) : () -> ()
      %add3A_501 = arith.constant 2 : i32
      %add3A_502 = arith.addi %mul3A_480, %add3A_501 : i32
      %mul3A_503 = arith.constant 80 : i32
      %mul3A_504 = arith.muli %add3A_502, %mul3A_503 : i32
      %add3A_505 = arith.addi %mul3A_9, %mul3A_504 : i32
      %dma_start3A_506 = tpu.memref_slice %arg3[%add3A_505] : memref<320000xi32, #tpu.memory_space<hbm>> -> memref<80xi32, #tpu.memory_space<hbm>>
      %dma_start3A_507 = tpu.memref_slice %arg3[%add3A_505] : memref<320000xi32, #tpu.memory_space<hbm>> -> memref<80xi32, #tpu.memory_space<hbm>>
      tpu.enqueue_dma source(%dma_start3A_507 : memref<80xi32, #tpu.memory_space<hbm>>) target(%arg9 : memref<80xi32, #tpu.memory_space<vmem>>) target_semaphore(%arg16 : memref<!tpu.dma_semaphore, #tpu.memory_space<semaphore_mem>>)
      %dma_start3A_508 = arith.constant 0 : i32
      %dma_start3A_509 = tpu.memref_slice %arg2[%add3A_505, %dma_start3A_508] : memref<320000x128xf32, #tpu.memory_space<hbm>> -> memref<80x128xf32, #tpu.memory_space<hbm>>
      %dma_start3A_510 = arith.constant 0 : i32
      %dma_start3A_511 = tpu.memref_slice %arg2[%add3A_505, %dma_start3A_510] : memref<320000x128xf32, #tpu.memory_space<hbm>> -> memref<80x128xf32, #tpu.memory_space<hbm>>
      tpu.enqueue_dma source(%dma_start3A_511 : memref<80x128xf32, #tpu.memory_space<hbm>>) target(%arg11 : memref<80x128xf32, #tpu.memory_space<vmem>>) target_semaphore(%arg18 : memref<!tpu.dma_semaphore, #tpu.memory_space<semaphore_mem>>)
      %add3A_512 = arith.constant 1 : i32
      %add3A_513 = arith.addi %mul3A_480, %add3A_512 : i32
      %mul3A_514 = arith.constant 80 : i32
      %mul3A_515 = arith.muli %add3A_513, %mul3A_514 : i32
      %add3A_516 = arith.addi %mul3A_9, %mul3A_515 : i32
      %dma_wait3A_517 = tpu.memref_slice %arg3[%add3A_516] : memref<320000xi32, #tpu.memory_space<hbm>> -> memref<80xi32, #tpu.memory_space<hbm>>
      %dma_wait3A_518 = tpu.memref_slice %arg3[%add3A_516] : memref<320000xi32, #tpu.memory_space<hbm>> -> memref<80xi32, #tpu.memory_space<hbm>>
      tpu.wait_dma2 semaphore(%arg17 : memref<!tpu.dma_semaphore, #tpu.memory_space<semaphore_mem>>) src(%dma_wait3A_518 : memref<80xi32, #tpu.memory_space<hbm>>) dst(%arg10 : memref<80xi32, #tpu.memory_space<vmem>>)
      %dma_wait3A_519 = arith.constant 0 : i32
      %dma_wait3A_520 = tpu.memref_slice %arg2[%add3A_516, %dma_wait3A_519] : memref<320000x128xf32, #tpu.memory_space<hbm>> -> memref<80x128xf32, #tpu.memory_space<hbm>>
      %dma_wait3A_521 = arith.constant 0 : i32
      %dma_wait3A_522 = tpu.memref_slice %arg2[%add3A_516, %dma_wait3A_521] : memref<320000x128xf32, #tpu.memory_space<hbm>> -> memref<80x128xf32, #tpu.memory_space<hbm>>
      tpu.wait_dma2 semaphore(%arg19 : memref<!tpu.dma_semaphore, #tpu.memory_space<semaphore_mem>>) src(%dma_wait3A_522 : memref<80x128xf32, #tpu.memory_space<hbm>>) dst(%arg12 : memref<80x128xf32, #tpu.memory_space<vmem>>)
      "tpu.region"() ({
        %run_scoped3A_523 = tpu.sem_alloc : memref<!tpu.dma_semaphore, #tpu.memory_space<semaphore_mem>>
        %dma_start3A_524 = arith.constant 0 : i32
        %dma_start3A_525 = arith.constant 0 : i32
        %dma_start3A_526 = tpu.memref_slice %arg15[%dma_start3A_524, %dma_start3A_525] : memref<10240x128xf32, #tpu.memory_space<vmem_shared>> -> memref<10240x128xf32, #tpu.memory_space<vmem_shared>>
        tpu.enqueue_indirect_dma source(%arg12 : memref<80x128xf32, #tpu.memory_space<vmem>>) target(%dma_start3A_526 : memref<10240x128xf32, #tpu.memory_space<vmem_shared>>) offsets(%arg10 : memref<80xi32, #tpu.memory_space<vmem>>) semaphore(%run_scoped3A_523 : memref<!tpu.dma_semaphore, #tpu.memory_space<semaphore_mem>>) {add = true}
        %dma_wait3A_527 = arith.constant 0 : i32
        %dma_wait3A_528 = arith.constant 0 : i32
        %dma_wait3A_529 = tpu.memref_slice %arg15[%dma_wait3A_527, %dma_wait3A_528] : memref<10240x128xf32, #tpu.memory_space<vmem_shared>> -> memref<10240x128xf32, #tpu.memory_space<vmem_shared>>
        tpu.wait_indirect_dma semaphore(%run_scoped3A_523 : memref<!tpu.dma_semaphore, #tpu.memory_space<semaphore_mem>>) src(%arg12 : memref<80x128xf32, #tpu.memory_space<vmem>>) dst(%dma_wait3A_529 : memref<10240x128xf32, #tpu.memory_space<vmem_shared>>)
        tpu.yield
      }) : () -> ()
    }
    %scan3A_132 = arith.constant 62 : i32
    %add3A_133 = arith.constant 9920 : i32
    %add3A_134 = arith.addi %mul3A_9, %add3A_133 : i32
    %dma_wait3A_135 = tpu.memref_slice %arg3[%add3A_134] : memref<320000xi32, #tpu.memory_space<hbm>> -> memref<80xi32, #tpu.memory_space<hbm>>
    %dma_wait3A_136 = tpu.memref_slice %arg3[%add3A_134] : memref<320000xi32, #tpu.memory_space<hbm>> -> memref<80xi32, #tpu.memory_space<hbm>>
    tpu.wait_dma2 semaphore(%arg16 : memref<!tpu.dma_semaphore, #tpu.memory_space<semaphore_mem>>) src(%dma_wait3A_136 : memref<80xi32, #tpu.memory_space<hbm>>) dst(%arg9 : memref<80xi32, #tpu.memory_space<vmem>>)
    %dma_wait3A_137 = arith.constant 0 : i32
    %dma_wait3A_138 = tpu.memref_slice %arg2[%add3A_134, %dma_wait3A_137] : memref<320000x128xf32, #tpu.memory_space<hbm>> -> memref<80x128xf32, #tpu.memory_space<hbm>>
    %dma_wait3A_139 = arith.constant 0 : i32
    %dma_wait3A_140 = tpu.memref_slice %arg2[%add3A_134, %dma_wait3A_139] : memref<320000x128xf32, #tpu.memory_space<hbm>> -> memref<80x128xf32, #tpu.memory_space<hbm>>
    tpu.wait_dma2 semaphore(%arg18 : memref<!tpu.dma_semaphore, #tpu.memory_space<semaphore_mem>>) src(%dma_wait3A_140 : memref<80x128xf32, #tpu.memory_space<hbm>>) dst(%arg11 : memref<80x128xf32, #tpu.memory_space<vmem>>)
    "tpu.region"() ({
      %run_scoped3A_478 = tpu.sem_alloc : memref<!tpu.dma_semaphore, #tpu.memory_space<semaphore_mem>>
      %dma_start3A_479 = arith.constant 0 : i32
      %dma_start3A_480 = arith.constant 0 : i32
      %dma_start3A_481 = tpu.memref_slice %arg15[%dma_start3A_479, %dma_start3A_480] : memref<10240x128xf32, #tpu.memory_space<vmem_shared>> -> memref<10240x128xf32, #tpu.memory_space<vmem_shared>>
      tpu.enqueue_indirect_dma source(%arg11 : memref<80x128xf32, #tpu.memory_space<vmem>>) target(%dma_start3A_481 : memref<10240x128xf32, #tpu.memory_space<vmem_shared>>) offsets(%arg9 : memref<80xi32, #tpu.memory_space<vmem>>) semaphore(%run_scoped3A_478 : memref<!tpu.dma_semaphore, #tpu.memory_space<semaphore_mem>>) {add = true}
      %dma_wait3A_482 = arith.constant 0 : i32
      %dma_wait3A_483 = arith.constant 0 : i32
      %dma_wait3A_484 = tpu.memref_slice %arg15[%dma_wait3A_482, %dma_wait3A_483] : memref<10240x128xf32, #tpu.memory_space<vmem_shared>> -> memref<10240x128xf32, #tpu.memory_space<vmem_shared>>
      tpu.wait_indirect_dma semaphore(%run_scoped3A_478 : memref<!tpu.dma_semaphore, #tpu.memory_space<semaphore_mem>>) src(%arg11 : memref<80x128xf32, #tpu.memory_space<vmem>>) dst(%dma_wait3A_484 : memref<10240x128xf32, #tpu.memory_space<vmem_shared>>)
      tpu.yield
    }) : () -> ()
    %barrier3A_141 = arith.constant 0 : index
    tpu.barrier barrier_id(%barrier3A_141)
    %run_scoped3A = arith.constant 0 : i32
    "tpu.region"() ({
      %run_scoped3A_478 = tpu.sem_alloc : memref<!tpu.dma_semaphore, #tpu.memory_space<semaphore_mem>>
      %dma_start3A_479 = arith.constant 0 : i32
      %dma_start3A_480 = tpu.memref_slice %arg14[%run_scoped3A, %dma_start3A_479] : memref<8x80xi32, #tpu.memory_space<vmem>> -> memref<1x80xi32, #tpu.memory_space<vmem>>
      %dma_start3A_481 = tpu.memref_squeeze %dma_start3A_480 : memref<1x80xi32, #tpu.memory_space<vmem>> -> memref<80xi32, #tpu.memory_space<vmem>>
      %dma_start3A_482 = arith.constant 0 : i32
      %dma_start3A_483 = arith.constant 0 : i32
      %dma_start3A_484 = tpu.memref_slice %arg15[%dma_start3A_482, %dma_start3A_483] : memref<10240x128xf32, #tpu.memory_space<vmem_shared>> -> memref<10240x128xf32, #tpu.memory_space<vmem_shared>>
      tpu.enqueue_indirect_dma source(%dma_start3A_484 : memref<10240x128xf32, #tpu.memory_space<vmem_shared>>) target(%arg11 : memref<80x128xf32, #tpu.memory_space<vmem>>) offsets(%dma_start3A_481 : memref<80xi32, #tpu.memory_space<vmem>>) semaphore(%run_scoped3A_478 : memref<!tpu.dma_semaphore, #tpu.memory_space<semaphore_mem>>)
      %dma_wait3A_485 = arith.constant 0 : i32
      %dma_wait3A_486 = tpu.memref_slice %arg14[%run_scoped3A, %dma_wait3A_485] : memref<8x80xi32, #tpu.memory_space<vmem>> -> memref<1x80xi32, #tpu.memory_space<vmem>>
      %dma_wait3A_487 = tpu.memref_squeeze %dma_wait3A_486 : memref<1x80xi32, #tpu.memory_space<vmem>> -> memref<80xi32, #tpu.memory_space<vmem>>
      %dma_wait3A_488 = arith.constant 0 : i32
      %dma_wait3A_489 = arith.constant 0 : i32
      %dma_wait3A_490 = tpu.memref_slice %arg15[%dma_wait3A_488, %dma_wait3A_489] : memref<10240x128xf32, #tpu.memory_space<vmem_shared>> -> memref<10240x128xf32, #tpu.memory_space<vmem_shared>>
      tpu.wait_indirect_dma semaphore(%run_scoped3A_478 : memref<!tpu.dma_semaphore, #tpu.memory_space<semaphore_mem>>) src(%dma_wait3A_490 : memref<10240x128xf32, #tpu.memory_space<vmem_shared>>) dst(%arg11 : memref<80x128xf32, #tpu.memory_space<vmem>>)
      tpu.yield
    }) : () -> ()
    %add3A_142 = arith.constant 0 : i32
    %add3A_143 = arith.addi %add3A, %add3A_142 : i32
    %dma_start3A_144 = arith.constant 0 : i32
    %dma_start3A_145 = tpu.memref_slice %arg7[%add3A_143, %dma_start3A_144] : memref<20480x128xf32, #tpu.memory_space<hbm>> -> memref<80x128xf32, #tpu.memory_space<hbm>>
    %dma_start3A_146 = arith.constant 0 : i32
    %dma_start3A_147 = tpu.memref_slice %arg7[%add3A_143, %dma_start3A_146] : memref<20480x128xf32, #tpu.memory_space<hbm>> -> memref<80x128xf32, #tpu.memory_space<hbm>>
    tpu.enqueue_dma source(%arg11 : memref<80x128xf32, #tpu.memory_space<vmem>>) target(%dma_start3A_147 : memref<80x128xf32, #tpu.memory_space<hbm>>) target_semaphore(%arg18 : memref<!tpu.dma_semaphore, #tpu.memory_space<semaphore_mem>>)
    %run_scoped3A_148 = arith.constant 1 : i32
    "tpu.region"() ({
      %run_scoped3A_478 = tpu.sem_alloc : memref<!tpu.dma_semaphore, #tpu.memory_space<semaphore_mem>>
      %dma_start3A_479 = arith.constant 0 : i32
      %dma_start3A_480 = tpu.memref_slice %arg14[%run_scoped3A_148, %dma_start3A_479] : memref<8x80xi32, #tpu.memory_space<vmem>> -> memref<1x80xi32, #tpu.memory_space<vmem>>
      %dma_start3A_481 = tpu.memref_squeeze %dma_start3A_480 : memref<1x80xi32, #tpu.memory_space<vmem>> -> memref<80xi32, #tpu.memory_space<vmem>>
      %dma_start3A_482 = arith.constant 0 : i32
      %dma_start3A_483 = arith.constant 0 : i32
      %dma_start3A_484 = tpu.memref_slice %arg15[%dma_start3A_482, %dma_start3A_483] : memref<10240x128xf32, #tpu.memory_space<vmem_shared>> -> memref<10240x128xf32, #tpu.memory_space<vmem_shared>>
      tpu.enqueue_indirect_dma source(%dma_start3A_484 : memref<10240x128xf32, #tpu.memory_space<vmem_shared>>) target(%arg12 : memref<80x128xf32, #tpu.memory_space<vmem>>) offsets(%dma_start3A_481 : memref<80xi32, #tpu.memory_space<vmem>>) semaphore(%run_scoped3A_478 : memref<!tpu.dma_semaphore, #tpu.memory_space<semaphore_mem>>)
      %dma_wait3A_485 = arith.constant 0 : i32
      %dma_wait3A_486 = tpu.memref_slice %arg14[%run_scoped3A_148, %dma_wait3A_485] : memref<8x80xi32, #tpu.memory_space<vmem>> -> memref<1x80xi32, #tpu.memory_space<vmem>>
      %dma_wait3A_487 = tpu.memref_squeeze %dma_wait3A_486 : memref<1x80xi32, #tpu.memory_space<vmem>> -> memref<80xi32, #tpu.memory_space<vmem>>
      %dma_wait3A_488 = arith.constant 0 : i32
      %dma_wait3A_489 = arith.constant 0 : i32
      %dma_wait3A_490 = tpu.memref_slice %arg15[%dma_wait3A_488, %dma_wait3A_489] : memref<10240x128xf32, #tpu.memory_space<vmem_shared>> -> memref<10240x128xf32, #tpu.memory_space<vmem_shared>>
      tpu.wait_indirect_dma semaphore(%run_scoped3A_478 : memref<!tpu.dma_semaphore, #tpu.memory_space<semaphore_mem>>) src(%dma_wait3A_490 : memref<10240x128xf32, #tpu.memory_space<vmem_shared>>) dst(%arg12 : memref<80x128xf32, #tpu.memory_space<vmem>>)
      tpu.yield
    }) : () -> ()
    %add3A_149 = arith.constant 80 : i32
    %add3A_150 = arith.addi %add3A, %add3A_149 : i32
    %dma_start3A_151 = arith.constant 0 : i32
    %dma_start3A_152 = tpu.memref_slice %arg7[%add3A_150, %dma_start3A_151] : memref<20480x128xf32, #tpu.memory_space<hbm>> -> memref<80x128xf32, #tpu.memory_space<hbm>>
    %dma_start3A_153 = arith.constant 0 : i32
    %dma_start3A_154 = tpu.memref_slice %arg7[%add3A_150, %dma_start3A_153] : memref<20480x128xf32, #tpu.memory_space<hbm>> -> memref<80x128xf32, #tpu.memory_space<hbm>>
    tpu.enqueue_dma source(%arg12 : memref<80x128xf32, #tpu.memory_space<vmem>>) target(%dma_start3A_154 : memref<80x128xf32, #tpu.memory_space<hbm>>) target_semaphore(%arg19 : memref<!tpu.dma_semaphore, #tpu.memory_space<semaphore_mem>>)
    %add3A_155 = arith.constant 0 : i32
    %add3A_156 = arith.addi %add3A, %add3A_155 : i32
    %dma_wait3A_157 = arith.constant 0 : i32
    %dma_wait3A_158 = tpu.memref_slice %arg7[%add3A_156, %dma_wait3A_157] : memref<20480x128xf32, #tpu.memory_space<hbm>> -> memref<80x128xf32, #tpu.memory_space<hbm>>
    %dma_wait3A_159 = arith.constant 0 : i32
    %dma_wait3A_160 = tpu.memref_slice %arg7[%add3A_156, %dma_wait3A_159] : memref<20480x128xf32, #tpu.memory_space<hbm>> -> memref<80x128xf32, #tpu.memory_space<hbm>>
    tpu.wait_dma2 semaphore(%arg18 : memref<!tpu.dma_semaphore, #tpu.memory_space<semaphore_mem>>) src(%arg11 : memref<80x128xf32, #tpu.memory_space<vmem>>) dst(%dma_wait3A_160 : memref<80x128xf32, #tpu.memory_space<hbm>>)
    %run_scoped3A_161 = arith.constant 2 : i32
    "tpu.region"() ({
      %run_scoped3A_478 = tpu.sem_alloc : memref<!tpu.dma_semaphore, #tpu.memory_space<semaphore_mem>>
      %dma_start3A_479 = arith.constant 0 : i32
      %dma_start3A_480 = tpu.memref_slice %arg14[%run_scoped3A_161, %dma_start3A_479] : memref<8x80xi32, #tpu.memory_space<vmem>> -> memref<1x80xi32, #tpu.memory_space<vmem>>
      %dma_start3A_481 = tpu.memref_squeeze %dma_start3A_480 : memref<1x80xi32, #tpu.memory_space<vmem>> -> memref<80xi32, #tpu.memory_space<vmem>>
      %dma_start3A_482 = arith.constant 0 : i32
      %dma_start3A_483 = arith.constant 0 : i32
      %dma_start3A_484 = tpu.memref_slice %arg15[%dma_start3A_482, %dma_start3A_483] : memref<10240x128xf32, #tpu.memory_space<vmem_shared>> -> memref<10240x128xf32, #tpu.memory_space<vmem_shared>>
      tpu.enqueue_indirect_dma source(%dma_start3A_484 : memref<10240x128xf32, #tpu.memory_space<vmem_shared>>) target(%arg11 : memref<80x128xf32, #tpu.memory_space<vmem>>) offsets(%dma_start3A_481 : memref<80xi32, #tpu.memory_space<vmem>>) semaphore(%run_scoped3A_478 : memref<!tpu.dma_semaphore, #tpu.memory_space<semaphore_mem>>)
      %dma_wait3A_485 = arith.constant 0 : i32
      %dma_wait3A_486 = tpu.memref_slice %arg14[%run_scoped3A_161, %dma_wait3A_485] : memref<8x80xi32, #tpu.memory_space<vmem>> -> memref<1x80xi32, #tpu.memory_space<vmem>>
      %dma_wait3A_487 = tpu.memref_squeeze %dma_wait3A_486 : memref<1x80xi32, #tpu.memory_space<vmem>> -> memref<80xi32, #tpu.memory_space<vmem>>
      %dma_wait3A_488 = arith.constant 0 : i32
      %dma_wait3A_489 = arith.constant 0 : i32
      %dma_wait3A_490 = tpu.memref_slice %arg15[%dma_wait3A_488, %dma_wait3A_489] : memref<10240x128xf32, #tpu.memory_space<vmem_shared>> -> memref<10240x128xf32, #tpu.memory_space<vmem_shared>>
      tpu.wait_indirect_dma semaphore(%run_scoped3A_478 : memref<!tpu.dma_semaphore, #tpu.memory_space<semaphore_mem>>) src(%dma_wait3A_490 : memref<10240x128xf32, #tpu.memory_space<vmem_shared>>) dst(%arg11 : memref<80x128xf32, #tpu.memory_space<vmem>>)
      tpu.yield
    }) : () -> ()
    %add3A_162 = arith.constant 160 : i32
    %add3A_163 = arith.addi %add3A, %add3A_162 : i32
    %dma_start3A_164 = arith.constant 0 : i32
    %dma_start3A_165 = tpu.memref_slice %arg7[%add3A_163, %dma_start3A_164] : memref<20480x128xf32, #tpu.memory_space<hbm>> -> memref<80x128xf32, #tpu.memory_space<hbm>>
    %dma_start3A_166 = arith.constant 0 : i32
    %dma_start3A_167 = tpu.memref_slice %arg7[%add3A_163, %dma_start3A_166] : memref<20480x128xf32, #tpu.memory_space<hbm>> -> memref<80x128xf32, #tpu.memory_space<hbm>>
    tpu.enqueue_dma source(%arg11 : memref<80x128xf32, #tpu.memory_space<vmem>>) target(%dma_start3A_167 : memref<80x128xf32, #tpu.memory_space<hbm>>) target_semaphore(%arg18 : memref<!tpu.dma_semaphore, #tpu.memory_space<semaphore_mem>>)
    %add3A_168 = arith.constant 80 : i32
    %add3A_169 = arith.addi %add3A, %add3A_168 : i32
    %dma_wait3A_170 = arith.constant 0 : i32
    %dma_wait3A_171 = tpu.memref_slice %arg7[%add3A_169, %dma_wait3A_170] : memref<20480x128xf32, #tpu.memory_space<hbm>> -> memref<80x128xf32, #tpu.memory_space<hbm>>
    %dma_wait3A_172 = arith.constant 0 : i32
    %dma_wait3A_173 = tpu.memref_slice %arg7[%add3A_169, %dma_wait3A_172] : memref<20480x128xf32, #tpu.memory_space<hbm>> -> memref<80x128xf32, #tpu.memory_space<hbm>>
    tpu.wait_dma2 semaphore(%arg19 : memref<!tpu.dma_semaphore, #tpu.memory_space<semaphore_mem>>) src(%arg12 : memref<80x128xf32, #tpu.memory_space<vmem>>) dst(%dma_wait3A_173 : memref<80x128xf32, #tpu.memory_space<hbm>>)
    %run_scoped3A_174 = arith.constant 3 : i32
    "tpu.region"() ({
      %run_scoped3A_478 = tpu.sem_alloc : memref<!tpu.dma_semaphore, #tpu.memory_space<semaphore_mem>>
      %dma_start3A_479 = arith.constant 0 : i32
      %dma_start3A_480 = tpu.memref_slice %arg14[%run_scoped3A_174, %dma_start3A_479] : memref<8x80xi32, #tpu.memory_space<vmem>> -> memref<1x80xi32, #tpu.memory_space<vmem>>
      %dma_start3A_481 = tpu.memref_squeeze %dma_start3A_480 : memref<1x80xi32, #tpu.memory_space<vmem>> -> memref<80xi32, #tpu.memory_space<vmem>>
      %dma_start3A_482 = arith.constant 0 : i32
      %dma_start3A_483 = arith.constant 0 : i32
      %dma_start3A_484 = tpu.memref_slice %arg15[%dma_start3A_482, %dma_start3A_483] : memref<10240x128xf32, #tpu.memory_space<vmem_shared>> -> memref<10240x128xf32, #tpu.memory_space<vmem_shared>>
      tpu.enqueue_indirect_dma source(%dma_start3A_484 : memref<10240x128xf32, #tpu.memory_space<vmem_shared>>) target(%arg12 : memref<80x128xf32, #tpu.memory_space<vmem>>) offsets(%dma_start3A_481 : memref<80xi32, #tpu.memory_space<vmem>>) semaphore(%run_scoped3A_478 : memref<!tpu.dma_semaphore, #tpu.memory_space<semaphore_mem>>)
      %dma_wait3A_485 = arith.constant 0 : i32
      %dma_wait3A_486 = tpu.memref_slice %arg14[%run_scoped3A_174, %dma_wait3A_485] : memref<8x80xi32, #tpu.memory_space<vmem>> -> memref<1x80xi32, #tpu.memory_space<vmem>>
      %dma_wait3A_487 = tpu.memref_squeeze %dma_wait3A_486 : memref<1x80xi32, #tpu.memory_space<vmem>> -> memref<80xi32, #tpu.memory_space<vmem>>
      %dma_wait3A_488 = arith.constant 0 : i32
      %dma_wait3A_489 = arith.constant 0 : i32
      %dma_wait3A_490 = tpu.memref_slice %arg15[%dma_wait3A_488, %dma_wait3A_489] : memref<10240x128xf32, #tpu.memory_space<vmem_shared>> -> memref<10240x128xf32, #tpu.memory_space<vmem_shared>>
      tpu.wait_indirect_dma semaphore(%run_scoped3A_478 : memref<!tpu.dma_semaphore, #tpu.memory_space<semaphore_mem>>) src(%dma_wait3A_490 : memref<10240x128xf32, #tpu.memory_space<vmem_shared>>) dst(%arg12 : memref<80x128xf32, #tpu.memory_space<vmem>>)
      tpu.yield
    }) : () -> ()
    %add3A_175 = arith.constant 240 : i32
    %add3A_176 = arith.addi %add3A, %add3A_175 : i32
    %dma_start3A_177 = arith.constant 0 : i32
    %dma_start3A_178 = tpu.memref_slice %arg7[%add3A_176, %dma_start3A_177] : memref<20480x128xf32, #tpu.memory_space<hbm>> -> memref<80x128xf32, #tpu.memory_space<hbm>>
    %dma_start3A_179 = arith.constant 0 : i32
    %dma_start3A_180 = tpu.memref_slice %arg7[%add3A_176, %dma_start3A_179] : memref<20480x128xf32, #tpu.memory_space<hbm>> -> memref<80x128xf32, #tpu.memory_space<hbm>>
    tpu.enqueue_dma source(%arg12 : memref<80x128xf32, #tpu.memory_space<vmem>>) target(%dma_start3A_180 : memref<80x128xf32, #tpu.memory_space<hbm>>) target_semaphore(%arg19 : memref<!tpu.dma_semaphore, #tpu.memory_space<semaphore_mem>>)
    %add3A_181 = arith.constant 160 : i32
    %add3A_182 = arith.addi %add3A, %add3A_181 : i32
    %dma_wait3A_183 = arith.constant 0 : i32
    %dma_wait3A_184 = tpu.memref_slice %arg7[%add3A_182, %dma_wait3A_183] : memref<20480x128xf32, #tpu.memory_space<hbm>> -> memref<80x128xf32, #tpu.memory_space<hbm>>
    %dma_wait3A_185 = arith.constant 0 : i32
    %dma_wait3A_186 = tpu.memref_slice %arg7[%add3A_182, %dma_wait3A_185] : memref<20480x128xf32, #tpu.memory_space<hbm>> -> memref<80x128xf32, #tpu.memory_space<hbm>>
    tpu.wait_dma2 semaphore(%arg18 : memref<!tpu.dma_semaphore, #tpu.memory_space<semaphore_mem>>) src(%arg11 : memref<80x128xf32, #tpu.memory_space<vmem>>) dst(%dma_wait3A_186 : memref<80x128xf32, #tpu.memory_space<hbm>>)
    %run_scoped3A_187 = arith.constant 4 : i32
    "tpu.region"() ({
      %run_scoped3A_478 = tpu.sem_alloc : memref<!tpu.dma_semaphore, #tpu.memory_space<semaphore_mem>>
      %dma_start3A_479 = arith.constant 0 : i32
      %dma_start3A_480 = tpu.memref_slice %arg14[%run_scoped3A_187, %dma_start3A_479] : memref<8x80xi32, #tpu.memory_space<vmem>> -> memref<1x80xi32, #tpu.memory_space<vmem>>
      %dma_start3A_481 = tpu.memref_squeeze %dma_start3A_480 : memref<1x80xi32, #tpu.memory_space<vmem>> -> memref<80xi32, #tpu.memory_space<vmem>>
      %dma_start3A_482 = arith.constant 0 : i32
      %dma_start3A_483 = arith.constant 0 : i32
      %dma_start3A_484 = tpu.memref_slice %arg15[%dma_start3A_482, %dma_start3A_483] : memref<10240x128xf32, #tpu.memory_space<vmem_shared>> -> memref<10240x128xf32, #tpu.memory_space<vmem_shared>>
      tpu.enqueue_indirect_dma source(%dma_start3A_484 : memref<10240x128xf32, #tpu.memory_space<vmem_shared>>) target(%arg11 : memref<80x128xf32, #tpu.memory_space<vmem>>) offsets(%dma_start3A_481 : memref<80xi32, #tpu.memory_space<vmem>>) semaphore(%run_scoped3A_478 : memref<!tpu.dma_semaphore, #tpu.memory_space<semaphore_mem>>)
      %dma_wait3A_485 = arith.constant 0 : i32
      %dma_wait3A_486 = tpu.memref_slice %arg14[%run_scoped3A_187, %dma_wait3A_485] : memref<8x80xi32, #tpu.memory_space<vmem>> -> memref<1x80xi32, #tpu.memory_space<vmem>>
      %dma_wait3A_487 = tpu.memref_squeeze %dma_wait3A_486 : memref<1x80xi32, #tpu.memory_space<vmem>> -> memref<80xi32, #tpu.memory_space<vmem>>
      %dma_wait3A_488 = arith.constant 0 : i32
      %dma_wait3A_489 = arith.constant 0 : i32
      %dma_wait3A_490 = tpu.memref_slice %arg15[%dma_wait3A_488, %dma_wait3A_489] : memref<10240x128xf32, #tpu.memory_space<vmem_shared>> -> memref<10240x128xf32, #tpu.memory_space<vmem_shared>>
      tpu.wait_indirect_dma semaphore(%run_scoped3A_478 : memref<!tpu.dma_semaphore, #tpu.memory_space<semaphore_mem>>) src(%dma_wait3A_490 : memref<10240x128xf32, #tpu.memory_space<vmem_shared>>) dst(%arg11 : memref<80x128xf32, #tpu.memory_space<vmem>>)
      tpu.yield
    }) : () -> ()
    %add3A_188 = arith.constant 320 : i32
    %add3A_189 = arith.addi %add3A, %add3A_188 : i32
    %dma_start3A_190 = arith.constant 0 : i32
    %dma_start3A_191 = tpu.memref_slice %arg7[%add3A_189, %dma_start3A_190] : memref<20480x128xf32, #tpu.memory_space<hbm>> -> memref<80x128xf32, #tpu.memory_space<hbm>>
    %dma_start3A_192 = arith.constant 0 : i32
    %dma_start3A_193 = tpu.memref_slice %arg7[%add3A_189, %dma_start3A_192] : memref<20480x128xf32, #tpu.memory_space<hbm>> -> memref<80x128xf32, #tpu.memory_space<hbm>>
    tpu.enqueue_dma source(%arg11 : memref<80x128xf32, #tpu.memory_space<vmem>>) target(%dma_start3A_193 : memref<80x128xf32, #tpu.memory_space<hbm>>) target_semaphore(%arg18 : memref<!tpu.dma_semaphore, #tpu.memory_space<semaphore_mem>>)
    %add3A_194 = arith.constant 240 : i32
    %add3A_195 = arith.addi %add3A, %add3A_194 : i32
    %dma_wait3A_196 = arith.constant 0 : i32
    %dma_wait3A_197 = tpu.memref_slice %arg7[%add3A_195, %dma_wait3A_196] : memref<20480x128xf32, #tpu.memory_space<hbm>> -> memref<80x128xf32, #tpu.memory_space<hbm>>
    %dma_wait3A_198 = arith.constant 0 : i32
    %dma_wait3A_199 = tpu.memref_slice %arg7[%add3A_195, %dma_wait3A_198] : memref<20480x128xf32, #tpu.memory_space<hbm>> -> memref<80x128xf32, #tpu.memory_space<hbm>>
    tpu.wait_dma2 semaphore(%arg19 : memref<!tpu.dma_semaphore, #tpu.memory_space<semaphore_mem>>) src(%arg12 : memref<80x128xf32, #tpu.memory_space<vmem>>) dst(%dma_wait3A_199 : memref<80x128xf32, #tpu.memory_space<hbm>>)
    %run_scoped3A_200 = arith.constant 5 : i32
    "tpu.region"() ({
      %run_scoped3A_478 = tpu.sem_alloc : memref<!tpu.dma_semaphore, #tpu.memory_space<semaphore_mem>>
      %dma_start3A_479 = arith.constant 0 : i32
      %dma_start3A_480 = tpu.memref_slice %arg14[%run_scoped3A_200, %dma_start3A_479] : memref<8x80xi32, #tpu.memory_space<vmem>> -> memref<1x80xi32, #tpu.memory_space<vmem>>
      %dma_start3A_481 = tpu.memref_squeeze %dma_start3A_480 : memref<1x80xi32, #tpu.memory_space<vmem>> -> memref<80xi32, #tpu.memory_space<vmem>>
      %dma_start3A_482 = arith.constant 0 : i32
      %dma_start3A_483 = arith.constant 0 : i32
      %dma_start3A_484 = tpu.memref_slice %arg15[%dma_start3A_482, %dma_start3A_483] : memref<10240x128xf32, #tpu.memory_space<vmem_shared>> -> memref<10240x128xf32, #tpu.memory_space<vmem_shared>>
      tpu.enqueue_indirect_dma source(%dma_start3A_484 : memref<10240x128xf32, #tpu.memory_space<vmem_shared>>) target(%arg12 : memref<80x128xf32, #tpu.memory_space<vmem>>) offsets(%dma_start3A_481 : memref<80xi32, #tpu.memory_space<vmem>>) semaphore(%run_scoped3A_478 : memref<!tpu.dma_semaphore, #tpu.memory_space<semaphore_mem>>)
      %dma_wait3A_485 = arith.constant 0 : i32
      %dma_wait3A_486 = tpu.memref_slice %arg14[%run_scoped3A_200, %dma_wait3A_485] : memref<8x80xi32, #tpu.memory_space<vmem>> -> memref<1x80xi32, #tpu.memory_space<vmem>>
      %dma_wait3A_487 = tpu.memref_squeeze %dma_wait3A_486 : memref<1x80xi32, #tpu.memory_space<vmem>> -> memref<80xi32, #tpu.memory_space<vmem>>
      %dma_wait3A_488 = arith.constant 0 : i32
      %dma_wait3A_489 = arith.constant 0 : i32
      %dma_wait3A_490 = tpu.memref_slice %arg15[%dma_wait3A_488, %dma_wait3A_489] : memref<10240x128xf32, #tpu.memory_space<vmem_shared>> -> memref<10240x128xf32, #tpu.memory_space<vmem_shared>>
      tpu.wait_indirect_dma semaphore(%run_scoped3A_478 : memref<!tpu.dma_semaphore, #tpu.memory_space<semaphore_mem>>) src(%dma_wait3A_490 : memref<10240x128xf32, #tpu.memory_space<vmem_shared>>) dst(%arg12 : memref<80x128xf32, #tpu.memory_space<vmem>>)
      tpu.yield
    }) : () -> ()
    %add3A_201 = arith.constant 400 : i32
    %add3A_202 = arith.addi %add3A, %add3A_201 : i32
    %dma_start3A_203 = arith.constant 0 : i32
    %dma_start3A_204 = tpu.memref_slice %arg7[%add3A_202, %dma_start3A_203] : memref<20480x128xf32, #tpu.memory_space<hbm>> -> memref<80x128xf32, #tpu.memory_space<hbm>>
    %dma_start3A_205 = arith.constant 0 : i32
    %dma_start3A_206 = tpu.memref_slice %arg7[%add3A_202, %dma_start3A_205] : memref<20480x128xf32, #tpu.memory_space<hbm>> -> memref<80x128xf32, #tpu.memory_space<hbm>>
    tpu.enqueue_dma source(%arg12 : memref<80x128xf32, #tpu.memory_space<vmem>>) target(%dma_start3A_206 : memref<80x128xf32, #tpu.memory_space<hbm>>) target_semaphore(%arg19 : memref<!tpu.dma_semaphore, #tpu.memory_space<semaphore_mem>>)
    %add3A_207 = arith.constant 320 : i32
    %add3A_208 = arith.addi %add3A, %add3A_207 : i32
    %dma_wait3A_209 = arith.constant 0 : i32
    %dma_wait3A_210 = tpu.memref_slice %arg7[%add3A_208, %dma_wait3A_209] : memref<20480x128xf32, #tpu.memory_space<hbm>> -> memref<80x128xf32, #tpu.memory_space<hbm>>
    %dma_wait3A_211 = arith.constant 0 : i32
    %dma_wait3A_212 = tpu.memref_slice %arg7[%add3A_208, %dma_wait3A_211] : memref<20480x128xf32, #tpu.memory_space<hbm>> -> memref<80x128xf32, #tpu.memory_space<hbm>>
    tpu.wait_dma2 semaphore(%arg18 : memref<!tpu.dma_semaphore, #tpu.memory_space<semaphore_mem>>) src(%arg11 : memref<80x128xf32, #tpu.memory_space<vmem>>) dst(%dma_wait3A_212 : memref<80x128xf32, #tpu.memory_space<hbm>>)
    %run_scoped3A_213 = arith.constant 6 : i32
    "tpu.region"() ({
      %run_scoped3A_478 = tpu.sem_alloc : memref<!tpu.dma_semaphore, #tpu.memory_space<semaphore_mem>>
      %dma_start3A_479 = arith.constant 0 : i32
      %dma_start3A_480 = tpu.memref_slice %arg14[%run_scoped3A_213, %dma_start3A_479] : memref<8x80xi32, #tpu.memory_space<vmem>> -> memref<1x80xi32, #tpu.memory_space<vmem>>
      %dma_start3A_481 = tpu.memref_squeeze %dma_start3A_480 : memref<1x80xi32, #tpu.memory_space<vmem>> -> memref<80xi32, #tpu.memory_space<vmem>>
      %dma_start3A_482 = arith.constant 0 : i32
      %dma_start3A_483 = arith.constant 0 : i32
      %dma_start3A_484 = tpu.memref_slice %arg15[%dma_start3A_482, %dma_start3A_483] : memref<10240x128xf32, #tpu.memory_space<vmem_shared>> -> memref<10240x128xf32, #tpu.memory_space<vmem_shared>>
      tpu.enqueue_indirect_dma source(%dma_start3A_484 : memref<10240x128xf32, #tpu.memory_space<vmem_shared>>) target(%arg11 : memref<80x128xf32, #tpu.memory_space<vmem>>) offsets(%dma_start3A_481 : memref<80xi32, #tpu.memory_space<vmem>>) semaphore(%run_scoped3A_478 : memref<!tpu.dma_semaphore, #tpu.memory_space<semaphore_mem>>)
      %dma_wait3A_485 = arith.constant 0 : i32
      %dma_wait3A_486 = tpu.memref_slice %arg14[%run_scoped3A_213, %dma_wait3A_485] : memref<8x80xi32, #tpu.memory_space<vmem>> -> memref<1x80xi32, #tpu.memory_space<vmem>>
      %dma_wait3A_487 = tpu.memref_squeeze %dma_wait3A_486 : memref<1x80xi32, #tpu.memory_space<vmem>> -> memref<80xi32, #tpu.memory_space<vmem>>
      %dma_wait3A_488 = arith.constant 0 : i32
      %dma_wait3A_489 = arith.constant 0 : i32
      %dma_wait3A_490 = tpu.memref_slice %arg15[%dma_wait3A_488, %dma_wait3A_489] : memref<10240x128xf32, #tpu.memory_space<vmem_shared>> -> memref<10240x128xf32, #tpu.memory_space<vmem_shared>>
      tpu.wait_indirect_dma semaphore(%run_scoped3A_478 : memref<!tpu.dma_semaphore, #tpu.memory_space<semaphore_mem>>) src(%dma_wait3A_490 : memref<10240x128xf32, #tpu.memory_space<vmem_shared>>) dst(%arg11 : memref<80x128xf32, #tpu.memory_space<vmem>>)
      tpu.yield
    }) : () -> ()
    %add3A_214 = arith.constant 480 : i32
    %add3A_215 = arith.addi %add3A, %add3A_214 : i32
    %dma_start3A_216 = arith.constant 0 : i32
    %dma_start3A_217 = tpu.memref_slice %arg7[%add3A_215, %dma_start3A_216] : memref<20480x128xf32, #tpu.memory_space<hbm>> -> memref<80x128xf32, #tpu.memory_space<hbm>>
    %dma_start3A_218 = arith.constant 0 : i32
    %dma_start3A_219 = tpu.memref_slice %arg7[%add3A_215, %dma_start3A_218] : memref<20480x128xf32, #tpu.memory_space<hbm>> -> memref<80x128xf32, #tpu.memory_space<hbm>>
    tpu.enqueue_dma source(%arg11 : memref<80x128xf32, #tpu.memory_space<vmem>>) target(%dma_start3A_219 : memref<80x128xf32, #tpu.memory_space<hbm>>) target_semaphore(%arg18 : memref<!tpu.dma_semaphore, #tpu.memory_space<semaphore_mem>>)
    %add3A_220 = arith.constant 400 : i32
    %add3A_221 = arith.addi %add3A, %add3A_220 : i32
    %dma_wait3A_222 = arith.constant 0 : i32
    %dma_wait3A_223 = tpu.memref_slice %arg7[%add3A_221, %dma_wait3A_222] : memref<20480x128xf32, #tpu.memory_space<hbm>> -> memref<80x128xf32, #tpu.memory_space<hbm>>
    %dma_wait3A_224 = arith.constant 0 : i32
    %dma_wait3A_225 = tpu.memref_slice %arg7[%add3A_221, %dma_wait3A_224] : memref<20480x128xf32, #tpu.memory_space<hbm>> -> memref<80x128xf32, #tpu.memory_space<hbm>>
    tpu.wait_dma2 semaphore(%arg19 : memref<!tpu.dma_semaphore, #tpu.memory_space<semaphore_mem>>) src(%arg12 : memref<80x128xf32, #tpu.memory_space<vmem>>) dst(%dma_wait3A_225 : memref<80x128xf32, #tpu.memory_space<hbm>>)
    %run_scoped3A_226 = arith.constant 7 : i32
    "tpu.region"() ({
      %run_scoped3A_478 = tpu.sem_alloc : memref<!tpu.dma_semaphore, #tpu.memory_space<semaphore_mem>>
      %dma_start3A_479 = arith.constant 0 : i32
      %dma_start3A_480 = tpu.memref_slice %arg14[%run_scoped3A_226, %dma_start3A_479] : memref<8x80xi32, #tpu.memory_space<vmem>> -> memref<1x80xi32, #tpu.memory_space<vmem>>
      %dma_start3A_481 = tpu.memref_squeeze %dma_start3A_480 : memref<1x80xi32, #tpu.memory_space<vmem>> -> memref<80xi32, #tpu.memory_space<vmem>>
      %dma_start3A_482 = arith.constant 0 : i32
      %dma_start3A_483 = arith.constant 0 : i32
      %dma_start3A_484 = tpu.memref_slice %arg15[%dma_start3A_482, %dma_start3A_483] : memref<10240x128xf32, #tpu.memory_space<vmem_shared>> -> memref<10240x128xf32, #tpu.memory_space<vmem_shared>>
      tpu.enqueue_indirect_dma source(%dma_start3A_484 : memref<10240x128xf32, #tpu.memory_space<vmem_shared>>) target(%arg12 : memref<80x128xf32, #tpu.memory_space<vmem>>) offsets(%dma_start3A_481 : memref<80xi32, #tpu.memory_space<vmem>>) semaphore(%run_scoped3A_478 : memref<!tpu.dma_semaphore, #tpu.memory_space<semaphore_mem>>)
      %dma_wait3A_485 = arith.constant 0 : i32
      %dma_wait3A_486 = tpu.memref_slice %arg14[%run_scoped3A_226, %dma_wait3A_485] : memref<8x80xi32, #tpu.memory_space<vmem>> -> memref<1x80xi32, #tpu.memory_space<vmem>>
      %dma_wait3A_487 = tpu.memref_squeeze %dma_wait3A_486 : memref<1x80xi32, #tpu.memory_space<vmem>> -> memref<80xi32, #tpu.memory_space<vmem>>
      %dma_wait3A_488 = arith.constant 0 : i32
      %dma_wait3A_489 = arith.constant 0 : i32
      %dma_wait3A_490 = tpu.memref_slice %arg15[%dma_wait3A_488, %dma_wait3A_489] : memref<10240x128xf32, #tpu.memory_space<vmem_shared>> -> memref<10240x128xf32, #tpu.memory_space<vmem_shared>>
      tpu.wait_indirect_dma semaphore(%run_scoped3A_478 : memref<!tpu.dma_semaphore, #tpu.memory_space<semaphore_mem>>) src(%dma_wait3A_490 : memref<10240x128xf32, #tpu.memory_space<vmem_shared>>) dst(%arg12 : memref<80x128xf32, #tpu.memory_space<vmem>>)
      tpu.yield
    }) : () -> ()
    %add3A_227 = arith.constant 560 : i32
    %add3A_228 = arith.addi %add3A, %add3A_227 : i32
    %dma_start3A_229 = arith.constant 0 : i32
    %dma_start3A_230 = tpu.memref_slice %arg7[%add3A_228, %dma_start3A_229] : memref<20480x128xf32, #tpu.memory_space<hbm>> -> memref<80x128xf32, #tpu.memory_space<hbm>>
    %dma_start3A_231 = arith.constant 0 : i32
    %dma_start3A_232 = tpu.memref_slice %arg7[%add3A_228, %dma_start3A_231] : memref<20480x128xf32, #tpu.memory_space<hbm>> -> memref<80x128xf32, #tpu.memory_space<hbm>>
    tpu.enqueue_dma source(%arg12 : memref<80x128xf32, #tpu.memory_space<vmem>>) target(%dma_start3A_232 : memref<80x128xf32, #tpu.memory_space<hbm>>) target_semaphore(%arg19 : memref<!tpu.dma_semaphore, #tpu.memory_space<semaphore_mem>>)
    %add3A_233 = arith.constant 480 : i32
    %add3A_234 = arith.addi %add3A, %add3A_233 : i32
    %dma_wait3A_235 = arith.constant 0 : i32
    %dma_wait3A_236 = tpu.memref_slice %arg7[%add3A_234, %dma_wait3A_235] : memref<20480x128xf32, #tpu.memory_space<hbm>> -> memref<80x128xf32, #tpu.memory_space<hbm>>
    %dma_wait3A_237 = arith.constant 0 : i32
    %dma_wait3A_238 = tpu.memref_slice %arg7[%add3A_234, %dma_wait3A_237] : memref<20480x128xf32, #tpu.memory_space<hbm>> -> memref<80x128xf32, #tpu.memory_space<hbm>>
    tpu.wait_dma2 semaphore(%arg18 : memref<!tpu.dma_semaphore, #tpu.memory_space<semaphore_mem>>) src(%arg11 : memref<80x128xf32, #tpu.memory_space<vmem>>) dst(%dma_wait3A_238 : memref<80x128xf32, #tpu.memory_space<hbm>>)
    %add3A_239 = arith.constant 560 : i32
    %add3A_240 = arith.addi %add3A, %add3A_239 : i32
    %dma_wait3A_241 = arith.constant 0 : i32
    %dma_wait3A_242 = tpu.memref_slice %arg7[%add3A_240, %dma_wait3A_241] : memref<20480x128xf32, #tpu.memory_space<hbm>> -> memref<80x128xf32, #tpu.memory_space<hbm>>
    %dma_wait3A_243 = arith.constant 0 : i32
    %dma_wait3A_244 = tpu.memref_slice %arg7[%add3A_240, %dma_wait3A_243] : memref<20480x128xf32, #tpu.memory_space<hbm>> -> memref<80x128xf32, #tpu.memory_space<hbm>>
    tpu.wait_dma2 semaphore(%arg19 : memref<!tpu.dma_semaphore, #tpu.memory_space<semaphore_mem>>) src(%arg12 : memref<80x128xf32, #tpu.memory_space<vmem>>) dst(%dma_wait3A_244 : memref<80x128xf32, #tpu.memory_space<hbm>>)
    %barrier3A_245 = arith.constant 0 : index
    tpu.barrier barrier_id(%barrier3A_245)
    "tpu.region"() ({
      %run_scoped3A_478 = tpu.sem_alloc : memref<!tpu.dma_semaphore, #tpu.memory_space<semaphore_mem>>
      tpu.enqueue_dma source(%arg4 : memref<80x128xf32, #tpu.memory_space<hbm>>) target(%arg11 : memref<80x128xf32, #tpu.memory_space<vmem>>) target_semaphore(%run_scoped3A_478 : memref<!tpu.dma_semaphore, #tpu.memory_space<semaphore_mem>>)
      tpu.wait_dma2 semaphore(%run_scoped3A_478 : memref<!tpu.dma_semaphore, #tpu.memory_space<semaphore_mem>>) src(%arg4 : memref<80x128xf32, #tpu.memory_space<hbm>>) dst(%arg11 : memref<80x128xf32, #tpu.memory_space<vmem>>)
      tpu.yield
    }) : () -> ()
    "tpu.region"() ({
      %run_scoped3A_478 = tpu.sem_alloc : memref<!tpu.dma_semaphore, #tpu.memory_space<semaphore_mem>>
      tpu.enqueue_dma source(%arg4 : memref<80x128xf32, #tpu.memory_space<hbm>>) target(%arg12 : memref<80x128xf32, #tpu.memory_space<vmem>>) target_semaphore(%run_scoped3A_478 : memref<!tpu.dma_semaphore, #tpu.memory_space<semaphore_mem>>)
      tpu.wait_dma2 semaphore(%run_scoped3A_478 : memref<!tpu.dma_semaphore, #tpu.memory_space<semaphore_mem>>) src(%arg4 : memref<80x128xf32, #tpu.memory_space<hbm>>) dst(%arg12 : memref<80x128xf32, #tpu.memory_space<vmem>>)
      tpu.yield
    }) : () -> ()
    %dma_start3A_246 = arith.constant 0 : i32
    %dma_start3A_247 = arith.constant 0 : i32
    %dma_start3A_248 = tpu.memref_slice %arg14[%dma_start3A_246, %dma_start3A_247] : memref<8x80xi32, #tpu.memory_space<vmem>> -> memref<1x80xi32, #tpu.memory_space<vmem>>
    %dma_start3A_249 = tpu.memref_squeeze %dma_start3A_248 : memref<1x80xi32, #tpu.memory_space<vmem>> -> memref<80xi32, #tpu.memory_space<vmem>>
    %dma_start3A_250 = arith.constant 0 : i32
    %dma_start3A_251 = arith.constant 0 : i32
    %dma_start3A_252 = tpu.memref_slice %arg15[%dma_start3A_250, %dma_start3A_251] : memref<10240x128xf32, #tpu.memory_space<vmem_shared>> -> memref<10240x128xf32, #tpu.memory_space<vmem_shared>>
    tpu.enqueue_indirect_dma source(%arg11 : memref<80x128xf32, #tpu.memory_space<vmem>>) target(%dma_start3A_252 : memref<10240x128xf32, #tpu.memory_space<vmem_shared>>) offsets(%dma_start3A_249 : memref<80xi32, #tpu.memory_space<vmem>>) semaphore(%arg19 : memref<!tpu.dma_semaphore, #tpu.memory_space<semaphore_mem>>)
    %dma_start3A_253 = arith.constant 1 : i32
    %dma_start3A_254 = arith.constant 0 : i32
    %dma_start3A_255 = tpu.memref_slice %arg14[%dma_start3A_253, %dma_start3A_254] : memref<8x80xi32, #tpu.memory_space<vmem>> -> memref<1x80xi32, #tpu.memory_space<vmem>>
    %dma_start3A_256 = tpu.memref_squeeze %dma_start3A_255 : memref<1x80xi32, #tpu.memory_space<vmem>> -> memref<80xi32, #tpu.memory_space<vmem>>
    %dma_start3A_257 = arith.constant 0 : i32
    %dma_start3A_258 = arith.constant 0 : i32
    %dma_start3A_259 = tpu.memref_slice %arg15[%dma_start3A_257, %dma_start3A_258] : memref<10240x128xf32, #tpu.memory_space<vmem_shared>> -> memref<10240x128xf32, #tpu.memory_space<vmem_shared>>
    tpu.enqueue_indirect_dma source(%arg11 : memref<80x128xf32, #tpu.memory_space<vmem>>) target(%dma_start3A_259 : memref<10240x128xf32, #tpu.memory_space<vmem_shared>>) offsets(%dma_start3A_256 : memref<80xi32, #tpu.memory_space<vmem>>) semaphore(%arg19 : memref<!tpu.dma_semaphore, #tpu.memory_space<semaphore_mem>>)
    %dma_start3A_260 = arith.constant 2 : i32
    %dma_start3A_261 = arith.constant 0 : i32
    %dma_start3A_262 = tpu.memref_slice %arg14[%dma_start3A_260, %dma_start3A_261] : memref<8x80xi32, #tpu.memory_space<vmem>> -> memref<1x80xi32, #tpu.memory_space<vmem>>
    %dma_start3A_263 = tpu.memref_squeeze %dma_start3A_262 : memref<1x80xi32, #tpu.memory_space<vmem>> -> memref<80xi32, #tpu.memory_space<vmem>>
    %dma_start3A_264 = arith.constant 0 : i32
    %dma_start3A_265 = arith.constant 0 : i32
    %dma_start3A_266 = tpu.memref_slice %arg15[%dma_start3A_264, %dma_start3A_265] : memref<10240x128xf32, #tpu.memory_space<vmem_shared>> -> memref<10240x128xf32, #tpu.memory_space<vmem_shared>>
    tpu.enqueue_indirect_dma source(%arg11 : memref<80x128xf32, #tpu.memory_space<vmem>>) target(%dma_start3A_266 : memref<10240x128xf32, #tpu.memory_space<vmem_shared>>) offsets(%dma_start3A_263 : memref<80xi32, #tpu.memory_space<vmem>>) semaphore(%arg19 : memref<!tpu.dma_semaphore, #tpu.memory_space<semaphore_mem>>)
    %dma_start3A_267 = arith.constant 3 : i32
    %dma_start3A_268 = arith.constant 0 : i32
    %dma_start3A_269 = tpu.memref_slice %arg14[%dma_start3A_267, %dma_start3A_268] : memref<8x80xi32, #tpu.memory_space<vmem>> -> memref<1x80xi32, #tpu.memory_space<vmem>>
    %dma_start3A_270 = tpu.memref_squeeze %dma_start3A_269 : memref<1x80xi32, #tpu.memory_space<vmem>> -> memref<80xi32, #tpu.memory_space<vmem>>
    %dma_start3A_271 = arith.constant 0 : i32
    %dma_start3A_272 = arith.constant 0 : i32
    %dma_start3A_273 = tpu.memref_slice %arg15[%dma_start3A_271, %dma_start3A_272] : memref<10240x128xf32, #tpu.memory_space<vmem_shared>> -> memref<10240x128xf32, #tpu.memory_space<vmem_shared>>
    tpu.enqueue_indirect_dma source(%arg11 : memref<80x128xf32, #tpu.memory_space<vmem>>) target(%dma_start3A_273 : memref<10240x128xf32, #tpu.memory_space<vmem_shared>>) offsets(%dma_start3A_270 : memref<80xi32, #tpu.memory_space<vmem>>) semaphore(%arg19 : memref<!tpu.dma_semaphore, #tpu.memory_space<semaphore_mem>>)
    %dma_start3A_274 = arith.constant 4 : i32
    %dma_start3A_275 = arith.constant 0 : i32
    %dma_start3A_276 = tpu.memref_slice %arg14[%dma_start3A_274, %dma_start3A_275] : memref<8x80xi32, #tpu.memory_space<vmem>> -> memref<1x80xi32, #tpu.memory_space<vmem>>
    %dma_start3A_277 = tpu.memref_squeeze %dma_start3A_276 : memref<1x80xi32, #tpu.memory_space<vmem>> -> memref<80xi32, #tpu.memory_space<vmem>>
    %dma_start3A_278 = arith.constant 0 : i32
    %dma_start3A_279 = arith.constant 0 : i32
    %dma_start3A_280 = tpu.memref_slice %arg15[%dma_start3A_278, %dma_start3A_279] : memref<10240x128xf32, #tpu.memory_space<vmem_shared>> -> memref<10240x128xf32, #tpu.memory_space<vmem_shared>>
    tpu.enqueue_indirect_dma source(%arg11 : memref<80x128xf32, #tpu.memory_space<vmem>>) target(%dma_start3A_280 : memref<10240x128xf32, #tpu.memory_space<vmem_shared>>) offsets(%dma_start3A_277 : memref<80xi32, #tpu.memory_space<vmem>>) semaphore(%arg19 : memref<!tpu.dma_semaphore, #tpu.memory_space<semaphore_mem>>)
    %dma_start3A_281 = arith.constant 5 : i32
    %dma_start3A_282 = arith.constant 0 : i32
    %dma_start3A_283 = tpu.memref_slice %arg14[%dma_start3A_281, %dma_start3A_282] : memref<8x80xi32, #tpu.memory_space<vmem>> -> memref<1x80xi32, #tpu.memory_space<vmem>>
    %dma_start3A_284 = tpu.memref_squeeze %dma_start3A_283 : memref<1x80xi32, #tpu.memory_space<vmem>> -> memref<80xi32, #tpu.memory_space<vmem>>
    %dma_start3A_285 = arith.constant 0 : i32
    %dma_start3A_286 = arith.constant 0 : i32
    %dma_start3A_287 = tpu.memref_slice %arg15[%dma_start3A_285, %dma_start3A_286] : memref<10240x128xf32, #tpu.memory_space<vmem_shared>> -> memref<10240x128xf32, #tpu.memory_space<vmem_shared>>
    tpu.enqueue_indirect_dma source(%arg11 : memref<80x128xf32, #tpu.memory_space<vmem>>) target(%dma_start3A_287 : memref<10240x128xf32, #tpu.memory_space<vmem_shared>>) offsets(%dma_start3A_284 : memref<80xi32, #tpu.memory_space<vmem>>) semaphore(%arg19 : memref<!tpu.dma_semaphore, #tpu.memory_space<semaphore_mem>>)
    %dma_start3A_288 = arith.constant 6 : i32
    %dma_start3A_289 = arith.constant 0 : i32
    %dma_start3A_290 = tpu.memref_slice %arg14[%dma_start3A_288, %dma_start3A_289] : memref<8x80xi32, #tpu.memory_space<vmem>> -> memref<1x80xi32, #tpu.memory_space<vmem>>
    %dma_start3A_291 = tpu.memref_squeeze %dma_start3A_290 : memref<1x80xi32, #tpu.memory_space<vmem>> -> memref<80xi32, #tpu.memory_space<vmem>>
    %dma_start3A_292 = arith.constant 0 : i32
    %dma_start3A_293 = arith.constant 0 : i32
    %dma_start3A_294 = tpu.memref_slice %arg15[%dma_start3A_292, %dma_start3A_293] : memref<10240x128xf32, #tpu.memory_space<vmem_shared>> -> memref<10240x128xf32, #tpu.memory_space<vmem_shared>>
    tpu.enqueue_indirect_dma source(%arg11 : memref<80x128xf32, #tpu.memory_space<vmem>>) target(%dma_start3A_294 : memref<10240x128xf32, #tpu.memory_space<vmem_shared>>) offsets(%dma_start3A_291 : memref<80xi32, #tpu.memory_space<vmem>>) semaphore(%arg19 : memref<!tpu.dma_semaphore, #tpu.memory_space<semaphore_mem>>)
    %dma_start3A_295 = arith.constant 7 : i32
    %dma_start3A_296 = arith.constant 0 : i32
    %dma_start3A_297 = tpu.memref_slice %arg14[%dma_start3A_295, %dma_start3A_296] : memref<8x80xi32, #tpu.memory_space<vmem>> -> memref<1x80xi32, #tpu.memory_space<vmem>>
    %dma_start3A_298 = tpu.memref_squeeze %dma_start3A_297 : memref<1x80xi32, #tpu.memory_space<vmem>> -> memref<80xi32, #tpu.memory_space<vmem>>
    %dma_start3A_299 = arith.constant 0 : i32
    %dma_start3A_300 = arith.constant 0 : i32
    %dma_start3A_301 = tpu.memref_slice %arg15[%dma_start3A_299, %dma_start3A_300] : memref<10240x128xf32, #tpu.memory_space<vmem_shared>> -> memref<10240x128xf32, #tpu.memory_space<vmem_shared>>
    tpu.enqueue_indirect_dma source(%arg11 : memref<80x128xf32, #tpu.memory_space<vmem>>) target(%dma_start3A_301 : memref<10240x128xf32, #tpu.memory_space<vmem_shared>>) offsets(%dma_start3A_298 : memref<80xi32, #tpu.memory_space<vmem>>) semaphore(%arg19 : memref<!tpu.dma_semaphore, #tpu.memory_space<semaphore_mem>>)
    %dma_wait3A_302 = arith.constant 0 : i32
    %dma_wait3A_303 = arith.constant 0 : i32
    %dma_wait3A_304 = tpu.memref_slice %arg14[%dma_wait3A_302, %dma_wait3A_303] : memref<8x80xi32, #tpu.memory_space<vmem>> -> memref<1x80xi32, #tpu.memory_space<vmem>>
    %dma_wait3A_305 = tpu.memref_squeeze %dma_wait3A_304 : memref<1x80xi32, #tpu.memory_space<vmem>> -> memref<80xi32, #tpu.memory_space<vmem>>
    %dma_wait3A_306 = arith.constant 0 : i32
    %dma_wait3A_307 = arith.constant 0 : i32
    %dma_wait3A_308 = tpu.memref_slice %arg15[%dma_wait3A_306, %dma_wait3A_307] : memref<10240x128xf32, #tpu.memory_space<vmem_shared>> -> memref<10240x128xf32, #tpu.memory_space<vmem_shared>>
    tpu.wait_indirect_dma semaphore(%arg19 : memref<!tpu.dma_semaphore, #tpu.memory_space<semaphore_mem>>) src(%arg11 : memref<80x128xf32, #tpu.memory_space<vmem>>) dst(%dma_wait3A_308 : memref<10240x128xf32, #tpu.memory_space<vmem_shared>>)
    %dma_wait3A_309 = arith.constant 1 : i32
    %dma_wait3A_310 = arith.constant 0 : i32
    %dma_wait3A_311 = tpu.memref_slice %arg14[%dma_wait3A_309, %dma_wait3A_310] : memref<8x80xi32, #tpu.memory_space<vmem>> -> memref<1x80xi32, #tpu.memory_space<vmem>>
    %dma_wait3A_312 = tpu.memref_squeeze %dma_wait3A_311 : memref<1x80xi32, #tpu.memory_space<vmem>> -> memref<80xi32, #tpu.memory_space<vmem>>
    %dma_wait3A_313 = arith.constant 0 : i32
    %dma_wait3A_314 = arith.constant 0 : i32
    %dma_wait3A_315 = tpu.memref_slice %arg15[%dma_wait3A_313, %dma_wait3A_314] : memref<10240x128xf32, #tpu.memory_space<vmem_shared>> -> memref<10240x128xf32, #tpu.memory_space<vmem_shared>>
    tpu.wait_indirect_dma semaphore(%arg19 : memref<!tpu.dma_semaphore, #tpu.memory_space<semaphore_mem>>) src(%arg11 : memref<80x128xf32, #tpu.memory_space<vmem>>) dst(%dma_wait3A_315 : memref<10240x128xf32, #tpu.memory_space<vmem_shared>>)
    %dma_wait3A_316 = arith.constant 2 : i32
    %dma_wait3A_317 = arith.constant 0 : i32
    %dma_wait3A_318 = tpu.memref_slice %arg14[%dma_wait3A_316, %dma_wait3A_317] : memref<8x80xi32, #tpu.memory_space<vmem>> -> memref<1x80xi32, #tpu.memory_space<vmem>>
    %dma_wait3A_319 = tpu.memref_squeeze %dma_wait3A_318 : memref<1x80xi32, #tpu.memory_space<vmem>> -> memref<80xi32, #tpu.memory_space<vmem>>
    %dma_wait3A_320 = arith.constant 0 : i32
    %dma_wait3A_321 = arith.constant 0 : i32
    %dma_wait3A_322 = tpu.memref_slice %arg15[%dma_wait3A_320, %dma_wait3A_321] : memref<10240x128xf32, #tpu.memory_space<vmem_shared>> -> memref<10240x128xf32, #tpu.memory_space<vmem_shared>>
    tpu.wait_indirect_dma semaphore(%arg19 : memref<!tpu.dma_semaphore, #tpu.memory_space<semaphore_mem>>) src(%arg11 : memref<80x128xf32, #tpu.memory_space<vmem>>) dst(%dma_wait3A_322 : memref<10240x128xf32, #tpu.memory_space<vmem_shared>>)
    %dma_wait3A_323 = arith.constant 3 : i32
    %dma_wait3A_324 = arith.constant 0 : i32
    %dma_wait3A_325 = tpu.memref_slice %arg14[%dma_wait3A_323, %dma_wait3A_324] : memref<8x80xi32, #tpu.memory_space<vmem>> -> memref<1x80xi32, #tpu.memory_space<vmem>>
    %dma_wait3A_326 = tpu.memref_squeeze %dma_wait3A_325 : memref<1x80xi32, #tpu.memory_space<vmem>> -> memref<80xi32, #tpu.memory_space<vmem>>
    %dma_wait3A_327 = arith.constant 0 : i32
    %dma_wait3A_328 = arith.constant 0 : i32
    %dma_wait3A_329 = tpu.memref_slice %arg15[%dma_wait3A_327, %dma_wait3A_328] : memref<10240x128xf32, #tpu.memory_space<vmem_shared>> -> memref<10240x128xf32, #tpu.memory_space<vmem_shared>>
    tpu.wait_indirect_dma semaphore(%arg19 : memref<!tpu.dma_semaphore, #tpu.memory_space<semaphore_mem>>) src(%arg11 : memref<80x128xf32, #tpu.memory_space<vmem>>) dst(%dma_wait3A_329 : memref<10240x128xf32, #tpu.memory_space<vmem_shared>>)
    %dma_wait3A_330 = arith.constant 4 : i32
    %dma_wait3A_331 = arith.constant 0 : i32
    %dma_wait3A_332 = tpu.memref_slice %arg14[%dma_wait3A_330, %dma_wait3A_331] : memref<8x80xi32, #tpu.memory_space<vmem>> -> memref<1x80xi32, #tpu.memory_space<vmem>>
    %dma_wait3A_333 = tpu.memref_squeeze %dma_wait3A_332 : memref<1x80xi32, #tpu.memory_space<vmem>> -> memref<80xi32, #tpu.memory_space<vmem>>
    %dma_wait3A_334 = arith.constant 0 : i32
    %dma_wait3A_335 = arith.constant 0 : i32
    %dma_wait3A_336 = tpu.memref_slice %arg15[%dma_wait3A_334, %dma_wait3A_335] : memref<10240x128xf32, #tpu.memory_space<vmem_shared>> -> memref<10240x128xf32, #tpu.memory_space<vmem_shared>>
    tpu.wait_indirect_dma semaphore(%arg19 : memref<!tpu.dma_semaphore, #tpu.memory_space<semaphore_mem>>) src(%arg11 : memref<80x128xf32, #tpu.memory_space<vmem>>) dst(%dma_wait3A_336 : memref<10240x128xf32, #tpu.memory_space<vmem_shared>>)
    %dma_wait3A_337 = arith.constant 5 : i32
    %dma_wait3A_338 = arith.constant 0 : i32
    %dma_wait3A_339 = tpu.memref_slice %arg14[%dma_wait3A_337, %dma_wait3A_338] : memref<8x80xi32, #tpu.memory_space<vmem>> -> memref<1x80xi32, #tpu.memory_space<vmem>>
    %dma_wait3A_340 = tpu.memref_squeeze %dma_wait3A_339 : memref<1x80xi32, #tpu.memory_space<vmem>> -> memref<80xi32, #tpu.memory_space<vmem>>
    %dma_wait3A_341 = arith.constant 0 : i32
    %dma_wait3A_342 = arith.constant 0 : i32
    %dma_wait3A_343 = tpu.memref_slice %arg15[%dma_wait3A_341, %dma_wait3A_342] : memref<10240x128xf32, #tpu.memory_space<vmem_shared>> -> memref<10240x128xf32, #tpu.memory_space<vmem_shared>>
    tpu.wait_indirect_dma semaphore(%arg19 : memref<!tpu.dma_semaphore, #tpu.memory_space<semaphore_mem>>) src(%arg11 : memref<80x128xf32, #tpu.memory_space<vmem>>) dst(%dma_wait3A_343 : memref<10240x128xf32, #tpu.memory_space<vmem_shared>>)
    %dma_wait3A_344 = arith.constant 6 : i32
    %dma_wait3A_345 = arith.constant 0 : i32
    %dma_wait3A_346 = tpu.memref_slice %arg14[%dma_wait3A_344, %dma_wait3A_345] : memref<8x80xi32, #tpu.memory_space<vmem>> -> memref<1x80xi32, #tpu.memory_space<vmem>>
    %dma_wait3A_347 = tpu.memref_squeeze %dma_wait3A_346 : memref<1x80xi32, #tpu.memory_space<vmem>> -> memref<80xi32, #tpu.memory_space<vmem>>
    %dma_wait3A_348 = arith.constant 0 : i32
    %dma_wait3A_349 = arith.constant 0 : i32
    %dma_wait3A_350 = tpu.memref_slice %arg15[%dma_wait3A_348, %dma_wait3A_349] : memref<10240x128xf32, #tpu.memory_space<vmem_shared>> -> memref<10240x128xf32, #tpu.memory_space<vmem_shared>>
    tpu.wait_indirect_dma semaphore(%arg19 : memref<!tpu.dma_semaphore, #tpu.memory_space<semaphore_mem>>) src(%arg11 : memref<80x128xf32, #tpu.memory_space<vmem>>) dst(%dma_wait3A_350 : memref<10240x128xf32, #tpu.memory_space<vmem_shared>>)
    %dma_wait3A_351 = arith.constant 7 : i32
    %dma_wait3A_352 = arith.constant 0 : i32
    %dma_wait3A_353 = tpu.memref_slice %arg14[%dma_wait3A_351, %dma_wait3A_352] : memref<8x80xi32, #tpu.memory_space<vmem>> -> memref<1x80xi32, #tpu.memory_space<vmem>>
    %dma_wait3A_354 = tpu.memref_squeeze %dma_wait3A_353 : memref<1x80xi32, #tpu.memory_space<vmem>> -> memref<80xi32, #tpu.memory_space<vmem>>
    %dma_wait3A_355 = arith.constant 0 : i32
    %dma_wait3A_356 = arith.constant 0 : i32
    %dma_wait3A_357 = tpu.memref_slice %arg15[%dma_wait3A_355, %dma_wait3A_356] : memref<10240x128xf32, #tpu.memory_space<vmem_shared>> -> memref<10240x128xf32, #tpu.memory_space<vmem_shared>>
    tpu.wait_indirect_dma semaphore(%arg19 : memref<!tpu.dma_semaphore, #tpu.memory_space<semaphore_mem>>) src(%arg11 : memref<80x128xf32, #tpu.memory_space<vmem>>) dst(%dma_wait3A_357 : memref<10240x128xf32, #tpu.memory_space<vmem_shared>>)
    %barrier3A_358 = arith.constant 0 : index
    tpu.barrier barrier_id(%barrier3A_358)
    %add3A_359 = arith.constant 0 : i32
    %add3A_360 = arith.addi %mul3A_9, %add3A_359 : i32
    %dma_start3A_361 = tpu.memref_slice %arg3[%add3A_360] : memref<320000xi32, #tpu.memory_space<hbm>> -> memref<80xi32, #tpu.memory_space<hbm>>
    %dma_start3A_362 = tpu.memref_slice %arg3[%add3A_360] : memref<320000xi32, #tpu.memory_space<hbm>> -> memref<80xi32, #tpu.memory_space<hbm>>
    tpu.enqueue_dma source(%dma_start3A_362 : memref<80xi32, #tpu.memory_space<hbm>>) target(%arg9 : memref<80xi32, #tpu.memory_space<vmem>>) target_semaphore(%arg16 : memref<!tpu.dma_semaphore, #tpu.memory_space<semaphore_mem>>)
    %scan3A_363 = arith.constant 0 : i32
    %scan3A_364 = arith.constant 0 : i32
    %scan3A_365 = arith.constant 62 : i32
    %scan3A_366 = arith.addi %scan3A_364, %scan3A_365 : i32
    %scan3A_367 = arith.constant 1 : i32
    scf.for %scan3A_478 = %scan3A_364 to %scan3A_366 step %scan3A_367  : i32 {
      %mul3A_479 = arith.constant 2 : i32
      %mul3A_480 = arith.muli %mul3A_479, %scan3A_478 : i32
      %add3A_481 = arith.constant 1 : i32
      %add3A_482 = arith.addi %mul3A_480, %add3A_481 : i32
      %mul3A_483 = arith.constant 80 : i32
      %mul3A_484 = arith.muli %add3A_482, %mul3A_483 : i32
      %add3A_485 = arith.addi %mul3A_9, %mul3A_484 : i32
      %dma_start3A_486 = tpu.memref_slice %arg3[%add3A_485] : memref<320000xi32, #tpu.memory_space<hbm>> -> memref<80xi32, #tpu.memory_space<hbm>>
      %dma_start3A_487 = tpu.memref_slice %arg3[%add3A_485] : memref<320000xi32, #tpu.memory_space<hbm>> -> memref<80xi32, #tpu.memory_space<hbm>>
      tpu.enqueue_dma source(%dma_start3A_487 : memref<80xi32, #tpu.memory_space<hbm>>) target(%arg10 : memref<80xi32, #tpu.memory_space<vmem>>) target_semaphore(%arg17 : memref<!tpu.dma_semaphore, #tpu.memory_space<semaphore_mem>>)
      %mul3A_488 = arith.constant 80 : i32
      %mul3A_489 = arith.muli %mul3A_480, %mul3A_488 : i32
      %add3A_490 = arith.addi %mul3A_9, %mul3A_489 : i32
      %dma_wait3A_491 = tpu.memref_slice %arg3[%add3A_490] : memref<320000xi32, #tpu.memory_space<hbm>> -> memref<80xi32, #tpu.memory_space<hbm>>
      %dma_wait3A_492 = tpu.memref_slice %arg3[%add3A_490] : memref<320000xi32, #tpu.memory_space<hbm>> -> memref<80xi32, #tpu.memory_space<hbm>>
      tpu.wait_dma2 semaphore(%arg16 : memref<!tpu.dma_semaphore, #tpu.memory_space<semaphore_mem>>) src(%dma_wait3A_492 : memref<80xi32, #tpu.memory_space<hbm>>) dst(%arg9 : memref<80xi32, #tpu.memory_space<vmem>>)
      "tpu.region"() ({
        %run_scoped3A_507 = tpu.sem_alloc : memref<!tpu.dma_semaphore, #tpu.memory_space<semaphore_mem>>
        %dma_start3A_508 = arith.constant 0 : i32
        %dma_start3A_509 = arith.constant 0 : i32
        %dma_start3A_510 = tpu.memref_slice %arg15[%dma_start3A_508, %dma_start3A_509] : memref<10240x128xf32, #tpu.memory_space<vmem_shared>> -> memref<10240x128xf32, #tpu.memory_space<vmem_shared>>
        tpu.enqueue_indirect_dma source(%arg13 : memref<80x128xf32, #tpu.memory_space<vmem>>) target(%dma_start3A_510 : memref<10240x128xf32, #tpu.memory_space<vmem_shared>>) offsets(%arg9 : memref<80xi32, #tpu.memory_space<vmem>>) semaphore(%run_scoped3A_507 : memref<!tpu.dma_semaphore, #tpu.memory_space<semaphore_mem>>) {add = true}
        %dma_wait3A_511 = arith.constant 0 : i32
        %dma_wait3A_512 = arith.constant 0 : i32
        %dma_wait3A_513 = tpu.memref_slice %arg15[%dma_wait3A_511, %dma_wait3A_512] : memref<10240x128xf32, #tpu.memory_space<vmem_shared>> -> memref<10240x128xf32, #tpu.memory_space<vmem_shared>>
        tpu.wait_indirect_dma semaphore(%run_scoped3A_507 : memref<!tpu.dma_semaphore, #tpu.memory_space<semaphore_mem>>) src(%arg13 : memref<80x128xf32, #tpu.memory_space<vmem>>) dst(%dma_wait3A_513 : memref<10240x128xf32, #tpu.memory_space<vmem_shared>>)
        tpu.yield
      }) : () -> ()
      %add3A_493 = arith.constant 2 : i32
      %add3A_494 = arith.addi %mul3A_480, %add3A_493 : i32
      %mul3A_495 = arith.constant 80 : i32
      %mul3A_496 = arith.muli %add3A_494, %mul3A_495 : i32
      %add3A_497 = arith.addi %mul3A_9, %mul3A_496 : i32
      %dma_start3A_498 = tpu.memref_slice %arg3[%add3A_497] : memref<320000xi32, #tpu.memory_space<hbm>> -> memref<80xi32, #tpu.memory_space<hbm>>
      %dma_start3A_499 = tpu.memref_slice %arg3[%add3A_497] : memref<320000xi32, #tpu.memory_space<hbm>> -> memref<80xi32, #tpu.memory_space<hbm>>
      tpu.enqueue_dma source(%dma_start3A_499 : memref<80xi32, #tpu.memory_space<hbm>>) target(%arg9 : memref<80xi32, #tpu.memory_space<vmem>>) target_semaphore(%arg16 : memref<!tpu.dma_semaphore, #tpu.memory_space<semaphore_mem>>)
      %add3A_500 = arith.constant 1 : i32
      %add3A_501 = arith.addi %mul3A_480, %add3A_500 : i32
      %mul3A_502 = arith.constant 80 : i32
      %mul3A_503 = arith.muli %add3A_501, %mul3A_502 : i32
      %add3A_504 = arith.addi %mul3A_9, %mul3A_503 : i32
      %dma_wait3A_505 = tpu.memref_slice %arg3[%add3A_504] : memref<320000xi32, #tpu.memory_space<hbm>> -> memref<80xi32, #tpu.memory_space<hbm>>
      %dma_wait3A_506 = tpu.memref_slice %arg3[%add3A_504] : memref<320000xi32, #tpu.memory_space<hbm>> -> memref<80xi32, #tpu.memory_space<hbm>>
      tpu.wait_dma2 semaphore(%arg17 : memref<!tpu.dma_semaphore, #tpu.memory_space<semaphore_mem>>) src(%dma_wait3A_506 : memref<80xi32, #tpu.memory_space<hbm>>) dst(%arg10 : memref<80xi32, #tpu.memory_space<vmem>>)
      "tpu.region"() ({
        %run_scoped3A_507 = tpu.sem_alloc : memref<!tpu.dma_semaphore, #tpu.memory_space<semaphore_mem>>
        %dma_start3A_508 = arith.constant 0 : i32
        %dma_start3A_509 = arith.constant 0 : i32
        %dma_start3A_510 = tpu.memref_slice %arg15[%dma_start3A_508, %dma_start3A_509] : memref<10240x128xf32, #tpu.memory_space<vmem_shared>> -> memref<10240x128xf32, #tpu.memory_space<vmem_shared>>
        tpu.enqueue_indirect_dma source(%arg13 : memref<80x128xf32, #tpu.memory_space<vmem>>) target(%dma_start3A_510 : memref<10240x128xf32, #tpu.memory_space<vmem_shared>>) offsets(%arg10 : memref<80xi32, #tpu.memory_space<vmem>>) semaphore(%run_scoped3A_507 : memref<!tpu.dma_semaphore, #tpu.memory_space<semaphore_mem>>) {add = true}
        %dma_wait3A_511 = arith.constant 0 : i32
        %dma_wait3A_512 = arith.constant 0 : i32
        %dma_wait3A_513 = tpu.memref_slice %arg15[%dma_wait3A_511, %dma_wait3A_512] : memref<10240x128xf32, #tpu.memory_space<vmem_shared>> -> memref<10240x128xf32, #tpu.memory_space<vmem_shared>>
        tpu.wait_indirect_dma semaphore(%run_scoped3A_507 : memref<!tpu.dma_semaphore, #tpu.memory_space<semaphore_mem>>) src(%arg13 : memref<80x128xf32, #tpu.memory_space<vmem>>) dst(%dma_wait3A_513 : memref<10240x128xf32, #tpu.memory_space<vmem_shared>>)
        tpu.yield
      }) : () -> ()
    }
    %scan3A_368 = arith.constant 62 : i32
    %add3A_369 = arith.constant 9920 : i32
    %add3A_370 = arith.addi %mul3A_9, %add3A_369 : i32
    %dma_wait3A_371 = tpu.memref_slice %arg3[%add3A_370] : memref<320000xi32, #tpu.memory_space<hbm>> -> memref<80xi32, #tpu.memory_space<hbm>>
    %dma_wait3A_372 = tpu.memref_slice %arg3[%add3A_370] : memref<320000xi32, #tpu.memory_space<hbm>> -> memref<80xi32, #tpu.memory_space<hbm>>
    tpu.wait_dma2 semaphore(%arg16 : memref<!tpu.dma_semaphore, #tpu.memory_space<semaphore_mem>>) src(%dma_wait3A_372 : memref<80xi32, #tpu.memory_space<hbm>>) dst(%arg9 : memref<80xi32, #tpu.memory_space<vmem>>)
    "tpu.region"() ({
      %run_scoped3A_478 = tpu.sem_alloc : memref<!tpu.dma_semaphore, #tpu.memory_space<semaphore_mem>>
      %dma_start3A_479 = arith.constant 0 : i32
      %dma_start3A_480 = arith.constant 0 : i32
      %dma_start3A_481 = tpu.memref_slice %arg15[%dma_start3A_479, %dma_start3A_480] : memref<10240x128xf32, #tpu.memory_space<vmem_shared>> -> memref<10240x128xf32, #tpu.memory_space<vmem_shared>>
      tpu.enqueue_indirect_dma source(%arg13 : memref<80x128xf32, #tpu.memory_space<vmem>>) target(%dma_start3A_481 : memref<10240x128xf32, #tpu.memory_space<vmem_shared>>) offsets(%arg9 : memref<80xi32, #tpu.memory_space<vmem>>) semaphore(%run_scoped3A_478 : memref<!tpu.dma_semaphore, #tpu.memory_space<semaphore_mem>>) {add = true}
      %dma_wait3A_482 = arith.constant 0 : i32
      %dma_wait3A_483 = arith.constant 0 : i32
      %dma_wait3A_484 = tpu.memref_slice %arg15[%dma_wait3A_482, %dma_wait3A_483] : memref<10240x128xf32, #tpu.memory_space<vmem_shared>> -> memref<10240x128xf32, #tpu.memory_space<vmem_shared>>
      tpu.wait_indirect_dma semaphore(%run_scoped3A_478 : memref<!tpu.dma_semaphore, #tpu.memory_space<semaphore_mem>>) src(%arg13 : memref<80x128xf32, #tpu.memory_space<vmem>>) dst(%dma_wait3A_484 : memref<10240x128xf32, #tpu.memory_space<vmem_shared>>)
      tpu.yield
    }) : () -> ()
    %barrier3A_373 = arith.constant 0 : index
    tpu.barrier barrier_id(%barrier3A_373)
    %run_scoped3A_374 = arith.constant 0 : i32
    "tpu.region"() ({
      %run_scoped3A_478 = tpu.sem_alloc : memref<!tpu.dma_semaphore, #tpu.memory_space<semaphore_mem>>
      %dma_start3A_479 = arith.constant 0 : i32
      %dma_start3A_480 = tpu.memref_slice %arg14[%run_scoped3A_374, %dma_start3A_479] : memref<8x80xi32, #tpu.memory_space<vmem>> -> memref<1x80xi32, #tpu.memory_space<vmem>>
      %dma_start3A_481 = tpu.memref_squeeze %dma_start3A_480 : memref<1x80xi32, #tpu.memory_space<vmem>> -> memref<80xi32, #tpu.memory_space<vmem>>
      %dma_start3A_482 = arith.constant 0 : i32
      %dma_start3A_483 = arith.constant 0 : i32
      %dma_start3A_484 = tpu.memref_slice %arg15[%dma_start3A_482, %dma_start3A_483] : memref<10240x128xf32, #tpu.memory_space<vmem_shared>> -> memref<10240x128xf32, #tpu.memory_space<vmem_shared>>
      tpu.enqueue_indirect_dma source(%dma_start3A_484 : memref<10240x128xf32, #tpu.memory_space<vmem_shared>>) target(%arg11 : memref<80x128xf32, #tpu.memory_space<vmem>>) offsets(%dma_start3A_481 : memref<80xi32, #tpu.memory_space<vmem>>) semaphore(%run_scoped3A_478 : memref<!tpu.dma_semaphore, #tpu.memory_space<semaphore_mem>>)
      %dma_wait3A_485 = arith.constant 0 : i32
      %dma_wait3A_486 = tpu.memref_slice %arg14[%run_scoped3A_374, %dma_wait3A_485] : memref<8x80xi32, #tpu.memory_space<vmem>> -> memref<1x80xi32, #tpu.memory_space<vmem>>
      %dma_wait3A_487 = tpu.memref_squeeze %dma_wait3A_486 : memref<1x80xi32, #tpu.memory_space<vmem>> -> memref<80xi32, #tpu.memory_space<vmem>>
      %dma_wait3A_488 = arith.constant 0 : i32
      %dma_wait3A_489 = arith.constant 0 : i32
      %dma_wait3A_490 = tpu.memref_slice %arg15[%dma_wait3A_488, %dma_wait3A_489] : memref<10240x128xf32, #tpu.memory_space<vmem_shared>> -> memref<10240x128xf32, #tpu.memory_space<vmem_shared>>
      tpu.wait_indirect_dma semaphore(%run_scoped3A_478 : memref<!tpu.dma_semaphore, #tpu.memory_space<semaphore_mem>>) src(%dma_wait3A_490 : memref<10240x128xf32, #tpu.memory_space<vmem_shared>>) dst(%arg11 : memref<80x128xf32, #tpu.memory_space<vmem>>)
      tpu.yield
    }) : () -> ()
    %add3A_375 = arith.constant 0 : i32
    %add3A_376 = arith.addi %add3A, %add3A_375 : i32
    %dma_start3A_377 = arith.constant 0 : i32
    %dma_start3A_378 = tpu.memref_slice %arg8[%add3A_376, %dma_start3A_377] : memref<20480x128xf32, #tpu.memory_space<hbm>> -> memref<80x128xf32, #tpu.memory_space<hbm>>
    %dma_start3A_379 = arith.constant 0 : i32
    %dma_start3A_380 = tpu.memref_slice %arg8[%add3A_376, %dma_start3A_379] : memref<20480x128xf32, #tpu.memory_space<hbm>> -> memref<80x128xf32, #tpu.memory_space<hbm>>
    tpu.enqueue_dma source(%arg11 : memref<80x128xf32, #tpu.memory_space<vmem>>) target(%dma_start3A_380 : memref<80x128xf32, #tpu.memory_space<hbm>>) target_semaphore(%arg18 : memref<!tpu.dma_semaphore, #tpu.memory_space<semaphore_mem>>)
    %run_scoped3A_381 = arith.constant 1 : i32
    "tpu.region"() ({
      %run_scoped3A_478 = tpu.sem_alloc : memref<!tpu.dma_semaphore, #tpu.memory_space<semaphore_mem>>
      %dma_start3A_479 = arith.constant 0 : i32
      %dma_start3A_480 = tpu.memref_slice %arg14[%run_scoped3A_381, %dma_start3A_479] : memref<8x80xi32, #tpu.memory_space<vmem>> -> memref<1x80xi32, #tpu.memory_space<vmem>>
      %dma_start3A_481 = tpu.memref_squeeze %dma_start3A_480 : memref<1x80xi32, #tpu.memory_space<vmem>> -> memref<80xi32, #tpu.memory_space<vmem>>
      %dma_start3A_482 = arith.constant 0 : i32
      %dma_start3A_483 = arith.constant 0 : i32
      %dma_start3A_484 = tpu.memref_slice %arg15[%dma_start3A_482, %dma_start3A_483] : memref<10240x128xf32, #tpu.memory_space<vmem_shared>> -> memref<10240x128xf32, #tpu.memory_space<vmem_shared>>
      tpu.enqueue_indirect_dma source(%dma_start3A_484 : memref<10240x128xf32, #tpu.memory_space<vmem_shared>>) target(%arg12 : memref<80x128xf32, #tpu.memory_space<vmem>>) offsets(%dma_start3A_481 : memref<80xi32, #tpu.memory_space<vmem>>) semaphore(%run_scoped3A_478 : memref<!tpu.dma_semaphore, #tpu.memory_space<semaphore_mem>>)
      %dma_wait3A_485 = arith.constant 0 : i32
      %dma_wait3A_486 = tpu.memref_slice %arg14[%run_scoped3A_381, %dma_wait3A_485] : memref<8x80xi32, #tpu.memory_space<vmem>> -> memref<1x80xi32, #tpu.memory_space<vmem>>
      %dma_wait3A_487 = tpu.memref_squeeze %dma_wait3A_486 : memref<1x80xi32, #tpu.memory_space<vmem>> -> memref<80xi32, #tpu.memory_space<vmem>>
      %dma_wait3A_488 = arith.constant 0 : i32
      %dma_wait3A_489 = arith.constant 0 : i32
      %dma_wait3A_490 = tpu.memref_slice %arg15[%dma_wait3A_488, %dma_wait3A_489] : memref<10240x128xf32, #tpu.memory_space<vmem_shared>> -> memref<10240x128xf32, #tpu.memory_space<vmem_shared>>
      tpu.wait_indirect_dma semaphore(%run_scoped3A_478 : memref<!tpu.dma_semaphore, #tpu.memory_space<semaphore_mem>>) src(%dma_wait3A_490 : memref<10240x128xf32, #tpu.memory_space<vmem_shared>>) dst(%arg12 : memref<80x128xf32, #tpu.memory_space<vmem>>)
      tpu.yield
    }) : () -> ()
    %add3A_382 = arith.constant 80 : i32
    %add3A_383 = arith.addi %add3A, %add3A_382 : i32
    %dma_start3A_384 = arith.constant 0 : i32
    %dma_start3A_385 = tpu.memref_slice %arg8[%add3A_383, %dma_start3A_384] : memref<20480x128xf32, #tpu.memory_space<hbm>> -> memref<80x128xf32, #tpu.memory_space<hbm>>
    %dma_start3A_386 = arith.constant 0 : i32
    %dma_start3A_387 = tpu.memref_slice %arg8[%add3A_383, %dma_start3A_386] : memref<20480x128xf32, #tpu.memory_space<hbm>> -> memref<80x128xf32, #tpu.memory_space<hbm>>
    tpu.enqueue_dma source(%arg12 : memref<80x128xf32, #tpu.memory_space<vmem>>) target(%dma_start3A_387 : memref<80x128xf32, #tpu.memory_space<hbm>>) target_semaphore(%arg19 : memref<!tpu.dma_semaphore, #tpu.memory_space<semaphore_mem>>)
    %add3A_388 = arith.constant 0 : i32
    %add3A_389 = arith.addi %add3A, %add3A_388 : i32
    %dma_wait3A_390 = arith.constant 0 : i32
    %dma_wait3A_391 = tpu.memref_slice %arg8[%add3A_389, %dma_wait3A_390] : memref<20480x128xf32, #tpu.memory_space<hbm>> -> memref<80x128xf32, #tpu.memory_space<hbm>>
    %dma_wait3A_392 = arith.constant 0 : i32
    %dma_wait3A_393 = tpu.memref_slice %arg8[%add3A_389, %dma_wait3A_392] : memref<20480x128xf32, #tpu.memory_space<hbm>> -> memref<80x128xf32, #tpu.memory_space<hbm>>
    tpu.wait_dma2 semaphore(%arg18 : memref<!tpu.dma_semaphore, #tpu.memory_space<semaphore_mem>>) src(%arg11 : memref<80x128xf32, #tpu.memory_space<vmem>>) dst(%dma_wait3A_393 : memref<80x128xf32, #tpu.memory_space<hbm>>)
    %run_scoped3A_394 = arith.constant 2 : i32
    "tpu.region"() ({
      %run_scoped3A_478 = tpu.sem_alloc : memref<!tpu.dma_semaphore, #tpu.memory_space<semaphore_mem>>
      %dma_start3A_479 = arith.constant 0 : i32
      %dma_start3A_480 = tpu.memref_slice %arg14[%run_scoped3A_394, %dma_start3A_479] : memref<8x80xi32, #tpu.memory_space<vmem>> -> memref<1x80xi32, #tpu.memory_space<vmem>>
      %dma_start3A_481 = tpu.memref_squeeze %dma_start3A_480 : memref<1x80xi32, #tpu.memory_space<vmem>> -> memref<80xi32, #tpu.memory_space<vmem>>
      %dma_start3A_482 = arith.constant 0 : i32
      %dma_start3A_483 = arith.constant 0 : i32
      %dma_start3A_484 = tpu.memref_slice %arg15[%dma_start3A_482, %dma_start3A_483] : memref<10240x128xf32, #tpu.memory_space<vmem_shared>> -> memref<10240x128xf32, #tpu.memory_space<vmem_shared>>
      tpu.enqueue_indirect_dma source(%dma_start3A_484 : memref<10240x128xf32, #tpu.memory_space<vmem_shared>>) target(%arg11 : memref<80x128xf32, #tpu.memory_space<vmem>>) offsets(%dma_start3A_481 : memref<80xi32, #tpu.memory_space<vmem>>) semaphore(%run_scoped3A_478 : memref<!tpu.dma_semaphore, #tpu.memory_space<semaphore_mem>>)
      %dma_wait3A_485 = arith.constant 0 : i32
      %dma_wait3A_486 = tpu.memref_slice %arg14[%run_scoped3A_394, %dma_wait3A_485] : memref<8x80xi32, #tpu.memory_space<vmem>> -> memref<1x80xi32, #tpu.memory_space<vmem>>
      %dma_wait3A_487 = tpu.memref_squeeze %dma_wait3A_486 : memref<1x80xi32, #tpu.memory_space<vmem>> -> memref<80xi32, #tpu.memory_space<vmem>>
      %dma_wait3A_488 = arith.constant 0 : i32
      %dma_wait3A_489 = arith.constant 0 : i32
      %dma_wait3A_490 = tpu.memref_slice %arg15[%dma_wait3A_488, %dma_wait3A_489] : memref<10240x128xf32, #tpu.memory_space<vmem_shared>> -> memref<10240x128xf32, #tpu.memory_space<vmem_shared>>
      tpu.wait_indirect_dma semaphore(%run_scoped3A_478 : memref<!tpu.dma_semaphore, #tpu.memory_space<semaphore_mem>>) src(%dma_wait3A_490 : memref<10240x128xf32, #tpu.memory_space<vmem_shared>>) dst(%arg11 : memref<80x128xf32, #tpu.memory_space<vmem>>)
      tpu.yield
    }) : () -> ()
    %add3A_395 = arith.constant 160 : i32
    %add3A_396 = arith.addi %add3A, %add3A_395 : i32
    %dma_start3A_397 = arith.constant 0 : i32
    %dma_start3A_398 = tpu.memref_slice %arg8[%add3A_396, %dma_start3A_397] : memref<20480x128xf32, #tpu.memory_space<hbm>> -> memref<80x128xf32, #tpu.memory_space<hbm>>
    %dma_start3A_399 = arith.constant 0 : i32
    %dma_start3A_400 = tpu.memref_slice %arg8[%add3A_396, %dma_start3A_399] : memref<20480x128xf32, #tpu.memory_space<hbm>> -> memref<80x128xf32, #tpu.memory_space<hbm>>
    tpu.enqueue_dma source(%arg11 : memref<80x128xf32, #tpu.memory_space<vmem>>) target(%dma_start3A_400 : memref<80x128xf32, #tpu.memory_space<hbm>>) target_semaphore(%arg18 : memref<!tpu.dma_semaphore, #tpu.memory_space<semaphore_mem>>)
    %add3A_401 = arith.constant 80 : i32
    %add3A_402 = arith.addi %add3A, %add3A_401 : i32
    %dma_wait3A_403 = arith.constant 0 : i32
    %dma_wait3A_404 = tpu.memref_slice %arg8[%add3A_402, %dma_wait3A_403] : memref<20480x128xf32, #tpu.memory_space<hbm>> -> memref<80x128xf32, #tpu.memory_space<hbm>>
    %dma_wait3A_405 = arith.constant 0 : i32
    %dma_wait3A_406 = tpu.memref_slice %arg8[%add3A_402, %dma_wait3A_405] : memref<20480x128xf32, #tpu.memory_space<hbm>> -> memref<80x128xf32, #tpu.memory_space<hbm>>
    tpu.wait_dma2 semaphore(%arg19 : memref<!tpu.dma_semaphore, #tpu.memory_space<semaphore_mem>>) src(%arg12 : memref<80x128xf32, #tpu.memory_space<vmem>>) dst(%dma_wait3A_406 : memref<80x128xf32, #tpu.memory_space<hbm>>)
    %run_scoped3A_407 = arith.constant 3 : i32
    "tpu.region"() ({
      %run_scoped3A_478 = tpu.sem_alloc : memref<!tpu.dma_semaphore, #tpu.memory_space<semaphore_mem>>
      %dma_start3A_479 = arith.constant 0 : i32
      %dma_start3A_480 = tpu.memref_slice %arg14[%run_scoped3A_407, %dma_start3A_479] : memref<8x80xi32, #tpu.memory_space<vmem>> -> memref<1x80xi32, #tpu.memory_space<vmem>>
      %dma_start3A_481 = tpu.memref_squeeze %dma_start3A_480 : memref<1x80xi32, #tpu.memory_space<vmem>> -> memref<80xi32, #tpu.memory_space<vmem>>
      %dma_start3A_482 = arith.constant 0 : i32
      %dma_start3A_483 = arith.constant 0 : i32
      %dma_start3A_484 = tpu.memref_slice %arg15[%dma_start3A_482, %dma_start3A_483] : memref<10240x128xf32, #tpu.memory_space<vmem_shared>> -> memref<10240x128xf32, #tpu.memory_space<vmem_shared>>
      tpu.enqueue_indirect_dma source(%dma_start3A_484 : memref<10240x128xf32, #tpu.memory_space<vmem_shared>>) target(%arg12 : memref<80x128xf32, #tpu.memory_space<vmem>>) offsets(%dma_start3A_481 : memref<80xi32, #tpu.memory_space<vmem>>) semaphore(%run_scoped3A_478 : memref<!tpu.dma_semaphore, #tpu.memory_space<semaphore_mem>>)
      %dma_wait3A_485 = arith.constant 0 : i32
      %dma_wait3A_486 = tpu.memref_slice %arg14[%run_scoped3A_407, %dma_wait3A_485] : memref<8x80xi32, #tpu.memory_space<vmem>> -> memref<1x80xi32, #tpu.memory_space<vmem>>
      %dma_wait3A_487 = tpu.memref_squeeze %dma_wait3A_486 : memref<1x80xi32, #tpu.memory_space<vmem>> -> memref<80xi32, #tpu.memory_space<vmem>>
      %dma_wait3A_488 = arith.constant 0 : i32
      %dma_wait3A_489 = arith.constant 0 : i32
      %dma_wait3A_490 = tpu.memref_slice %arg15[%dma_wait3A_488, %dma_wait3A_489] : memref<10240x128xf32, #tpu.memory_space<vmem_shared>> -> memref<10240x128xf32, #tpu.memory_space<vmem_shared>>
      tpu.wait_indirect_dma semaphore(%run_scoped3A_478 : memref<!tpu.dma_semaphore, #tpu.memory_space<semaphore_mem>>) src(%dma_wait3A_490 : memref<10240x128xf32, #tpu.memory_space<vmem_shared>>) dst(%arg12 : memref<80x128xf32, #tpu.memory_space<vmem>>)
      tpu.yield
    }) : () -> ()
    %add3A_408 = arith.constant 240 : i32
    %add3A_409 = arith.addi %add3A, %add3A_408 : i32
    %dma_start3A_410 = arith.constant 0 : i32
    %dma_start3A_411 = tpu.memref_slice %arg8[%add3A_409, %dma_start3A_410] : memref<20480x128xf32, #tpu.memory_space<hbm>> -> memref<80x128xf32, #tpu.memory_space<hbm>>
    %dma_start3A_412 = arith.constant 0 : i32
    %dma_start3A_413 = tpu.memref_slice %arg8[%add3A_409, %dma_start3A_412] : memref<20480x128xf32, #tpu.memory_space<hbm>> -> memref<80x128xf32, #tpu.memory_space<hbm>>
    tpu.enqueue_dma source(%arg12 : memref<80x128xf32, #tpu.memory_space<vmem>>) target(%dma_start3A_413 : memref<80x128xf32, #tpu.memory_space<hbm>>) target_semaphore(%arg19 : memref<!tpu.dma_semaphore, #tpu.memory_space<semaphore_mem>>)
    %add3A_414 = arith.constant 160 : i32
    %add3A_415 = arith.addi %add3A, %add3A_414 : i32
    %dma_wait3A_416 = arith.constant 0 : i32
    %dma_wait3A_417 = tpu.memref_slice %arg8[%add3A_415, %dma_wait3A_416] : memref<20480x128xf32, #tpu.memory_space<hbm>> -> memref<80x128xf32, #tpu.memory_space<hbm>>
    %dma_wait3A_418 = arith.constant 0 : i32
    %dma_wait3A_419 = tpu.memref_slice %arg8[%add3A_415, %dma_wait3A_418] : memref<20480x128xf32, #tpu.memory_space<hbm>> -> memref<80x128xf32, #tpu.memory_space<hbm>>
    tpu.wait_dma2 semaphore(%arg18 : memref<!tpu.dma_semaphore, #tpu.memory_space<semaphore_mem>>) src(%arg11 : memref<80x128xf32, #tpu.memory_space<vmem>>) dst(%dma_wait3A_419 : memref<80x128xf32, #tpu.memory_space<hbm>>)
    %run_scoped3A_420 = arith.constant 4 : i32
    "tpu.region"() ({
      %run_scoped3A_478 = tpu.sem_alloc : memref<!tpu.dma_semaphore, #tpu.memory_space<semaphore_mem>>
      %dma_start3A_479 = arith.constant 0 : i32
      %dma_start3A_480 = tpu.memref_slice %arg14[%run_scoped3A_420, %dma_start3A_479] : memref<8x80xi32, #tpu.memory_space<vmem>> -> memref<1x80xi32, #tpu.memory_space<vmem>>
      %dma_start3A_481 = tpu.memref_squeeze %dma_start3A_480 : memref<1x80xi32, #tpu.memory_space<vmem>> -> memref<80xi32, #tpu.memory_space<vmem>>
      %dma_start3A_482 = arith.constant 0 : i32
      %dma_start3A_483 = arith.constant 0 : i32
      %dma_start3A_484 = tpu.memref_slice %arg15[%dma_start3A_482, %dma_start3A_483] : memref<10240x128xf32, #tpu.memory_space<vmem_shared>> -> memref<10240x128xf32, #tpu.memory_space<vmem_shared>>
      tpu.enqueue_indirect_dma source(%dma_start3A_484 : memref<10240x128xf32, #tpu.memory_space<vmem_shared>>) target(%arg11 : memref<80x128xf32, #tpu.memory_space<vmem>>) offsets(%dma_start3A_481 : memref<80xi32, #tpu.memory_space<vmem>>) semaphore(%run_scoped3A_478 : memref<!tpu.dma_semaphore, #tpu.memory_space<semaphore_mem>>)
      %dma_wait3A_485 = arith.constant 0 : i32
      %dma_wait3A_486 = tpu.memref_slice %arg14[%run_scoped3A_420, %dma_wait3A_485] : memref<8x80xi32, #tpu.memory_space<vmem>> -> memref<1x80xi32, #tpu.memory_space<vmem>>
      %dma_wait3A_487 = tpu.memref_squeeze %dma_wait3A_486 : memref<1x80xi32, #tpu.memory_space<vmem>> -> memref<80xi32, #tpu.memory_space<vmem>>
      %dma_wait3A_488 = arith.constant 0 : i32
      %dma_wait3A_489 = arith.constant 0 : i32
      %dma_wait3A_490 = tpu.memref_slice %arg15[%dma_wait3A_488, %dma_wait3A_489] : memref<10240x128xf32, #tpu.memory_space<vmem_shared>> -> memref<10240x128xf32, #tpu.memory_space<vmem_shared>>
      tpu.wait_indirect_dma semaphore(%run_scoped3A_478 : memref<!tpu.dma_semaphore, #tpu.memory_space<semaphore_mem>>) src(%dma_wait3A_490 : memref<10240x128xf32, #tpu.memory_space<vmem_shared>>) dst(%arg11 : memref<80x128xf32, #tpu.memory_space<vmem>>)
      tpu.yield
    }) : () -> ()
    %add3A_421 = arith.constant 320 : i32
    %add3A_422 = arith.addi %add3A, %add3A_421 : i32
    %dma_start3A_423 = arith.constant 0 : i32
    %dma_start3A_424 = tpu.memref_slice %arg8[%add3A_422, %dma_start3A_423] : memref<20480x128xf32, #tpu.memory_space<hbm>> -> memref<80x128xf32, #tpu.memory_space<hbm>>
    %dma_start3A_425 = arith.constant 0 : i32
    %dma_start3A_426 = tpu.memref_slice %arg8[%add3A_422, %dma_start3A_425] : memref<20480x128xf32, #tpu.memory_space<hbm>> -> memref<80x128xf32, #tpu.memory_space<hbm>>
    tpu.enqueue_dma source(%arg11 : memref<80x128xf32, #tpu.memory_space<vmem>>) target(%dma_start3A_426 : memref<80x128xf32, #tpu.memory_space<hbm>>) target_semaphore(%arg18 : memref<!tpu.dma_semaphore, #tpu.memory_space<semaphore_mem>>)
    %add3A_427 = arith.constant 240 : i32
    %add3A_428 = arith.addi %add3A, %add3A_427 : i32
    %dma_wait3A_429 = arith.constant 0 : i32
    %dma_wait3A_430 = tpu.memref_slice %arg8[%add3A_428, %dma_wait3A_429] : memref<20480x128xf32, #tpu.memory_space<hbm>> -> memref<80x128xf32, #tpu.memory_space<hbm>>
    %dma_wait3A_431 = arith.constant 0 : i32
    %dma_wait3A_432 = tpu.memref_slice %arg8[%add3A_428, %dma_wait3A_431] : memref<20480x128xf32, #tpu.memory_space<hbm>> -> memref<80x128xf32, #tpu.memory_space<hbm>>
    tpu.wait_dma2 semaphore(%arg19 : memref<!tpu.dma_semaphore, #tpu.memory_space<semaphore_mem>>) src(%arg12 : memref<80x128xf32, #tpu.memory_space<vmem>>) dst(%dma_wait3A_432 : memref<80x128xf32, #tpu.memory_space<hbm>>)
    %run_scoped3A_433 = arith.constant 5 : i32
    "tpu.region"() ({
      %run_scoped3A_478 = tpu.sem_alloc : memref<!tpu.dma_semaphore, #tpu.memory_space<semaphore_mem>>
      %dma_start3A_479 = arith.constant 0 : i32
      %dma_start3A_480 = tpu.memref_slice %arg14[%run_scoped3A_433, %dma_start3A_479] : memref<8x80xi32, #tpu.memory_space<vmem>> -> memref<1x80xi32, #tpu.memory_space<vmem>>
      %dma_start3A_481 = tpu.memref_squeeze %dma_start3A_480 : memref<1x80xi32, #tpu.memory_space<vmem>> -> memref<80xi32, #tpu.memory_space<vmem>>
      %dma_start3A_482 = arith.constant 0 : i32
      %dma_start3A_483 = arith.constant 0 : i32
      %dma_start3A_484 = tpu.memref_slice %arg15[%dma_start3A_482, %dma_start3A_483] : memref<10240x128xf32, #tpu.memory_space<vmem_shared>> -> memref<10240x128xf32, #tpu.memory_space<vmem_shared>>
      tpu.enqueue_indirect_dma source(%dma_start3A_484 : memref<10240x128xf32, #tpu.memory_space<vmem_shared>>) target(%arg12 : memref<80x128xf32, #tpu.memory_space<vmem>>) offsets(%dma_start3A_481 : memref<80xi32, #tpu.memory_space<vmem>>) semaphore(%run_scoped3A_478 : memref<!tpu.dma_semaphore, #tpu.memory_space<semaphore_mem>>)
      %dma_wait3A_485 = arith.constant 0 : i32
      %dma_wait3A_486 = tpu.memref_slice %arg14[%run_scoped3A_433, %dma_wait3A_485] : memref<8x80xi32, #tpu.memory_space<vmem>> -> memref<1x80xi32, #tpu.memory_space<vmem>>
      %dma_wait3A_487 = tpu.memref_squeeze %dma_wait3A_486 : memref<1x80xi32, #tpu.memory_space<vmem>> -> memref<80xi32, #tpu.memory_space<vmem>>
      %dma_wait3A_488 = arith.constant 0 : i32
      %dma_wait3A_489 = arith.constant 0 : i32
      %dma_wait3A_490 = tpu.memref_slice %arg15[%dma_wait3A_488, %dma_wait3A_489] : memref<10240x128xf32, #tpu.memory_space<vmem_shared>> -> memref<10240x128xf32, #tpu.memory_space<vmem_shared>>
      tpu.wait_indirect_dma semaphore(%run_scoped3A_478 : memref<!tpu.dma_semaphore, #tpu.memory_space<semaphore_mem>>) src(%dma_wait3A_490 : memref<10240x128xf32, #tpu.memory_space<vmem_shared>>) dst(%arg12 : memref<80x128xf32, #tpu.memory_space<vmem>>)
      tpu.yield
    }) : () -> ()
    %add3A_434 = arith.constant 400 : i32
    %add3A_435 = arith.addi %add3A, %add3A_434 : i32
    %dma_start3A_436 = arith.constant 0 : i32
    %dma_start3A_437 = tpu.memref_slice %arg8[%add3A_435, %dma_start3A_436] : memref<20480x128xf32, #tpu.memory_space<hbm>> -> memref<80x128xf32, #tpu.memory_space<hbm>>
    %dma_start3A_438 = arith.constant 0 : i32
    %dma_start3A_439 = tpu.memref_slice %arg8[%add3A_435, %dma_start3A_438] : memref<20480x128xf32, #tpu.memory_space<hbm>> -> memref<80x128xf32, #tpu.memory_space<hbm>>
    tpu.enqueue_dma source(%arg12 : memref<80x128xf32, #tpu.memory_space<vmem>>) target(%dma_start3A_439 : memref<80x128xf32, #tpu.memory_space<hbm>>) target_semaphore(%arg19 : memref<!tpu.dma_semaphore, #tpu.memory_space<semaphore_mem>>)
    %add3A_440 = arith.constant 320 : i32
    %add3A_441 = arith.addi %add3A, %add3A_440 : i32
    %dma_wait3A_442 = arith.constant 0 : i32
    %dma_wait3A_443 = tpu.memref_slice %arg8[%add3A_441, %dma_wait3A_442] : memref<20480x128xf32, #tpu.memory_space<hbm>> -> memref<80x128xf32, #tpu.memory_space<hbm>>
    %dma_wait3A_444 = arith.constant 0 : i32
    %dma_wait3A_445 = tpu.memref_slice %arg8[%add3A_441, %dma_wait3A_444] : memref<20480x128xf32, #tpu.memory_space<hbm>> -> memref<80x128xf32, #tpu.memory_space<hbm>>
    tpu.wait_dma2 semaphore(%arg18 : memref<!tpu.dma_semaphore, #tpu.memory_space<semaphore_mem>>) src(%arg11 : memref<80x128xf32, #tpu.memory_space<vmem>>) dst(%dma_wait3A_445 : memref<80x128xf32, #tpu.memory_space<hbm>>)
    %run_scoped3A_446 = arith.constant 6 : i32
    "tpu.region"() ({
      %run_scoped3A_478 = tpu.sem_alloc : memref<!tpu.dma_semaphore, #tpu.memory_space<semaphore_mem>>
      %dma_start3A_479 = arith.constant 0 : i32
      %dma_start3A_480 = tpu.memref_slice %arg14[%run_scoped3A_446, %dma_start3A_479] : memref<8x80xi32, #tpu.memory_space<vmem>> -> memref<1x80xi32, #tpu.memory_space<vmem>>
      %dma_start3A_481 = tpu.memref_squeeze %dma_start3A_480 : memref<1x80xi32, #tpu.memory_space<vmem>> -> memref<80xi32, #tpu.memory_space<vmem>>
      %dma_start3A_482 = arith.constant 0 : i32
      %dma_start3A_483 = arith.constant 0 : i32
      %dma_start3A_484 = tpu.memref_slice %arg15[%dma_start3A_482, %dma_start3A_483] : memref<10240x128xf32, #tpu.memory_space<vmem_shared>> -> memref<10240x128xf32, #tpu.memory_space<vmem_shared>>
      tpu.enqueue_indirect_dma source(%dma_start3A_484 : memref<10240x128xf32, #tpu.memory_space<vmem_shared>>) target(%arg11 : memref<80x128xf32, #tpu.memory_space<vmem>>) offsets(%dma_start3A_481 : memref<80xi32, #tpu.memory_space<vmem>>) semaphore(%run_scoped3A_478 : memref<!tpu.dma_semaphore, #tpu.memory_space<semaphore_mem>>)
      %dma_wait3A_485 = arith.constant 0 : i32
      %dma_wait3A_486 = tpu.memref_slice %arg14[%run_scoped3A_446, %dma_wait3A_485] : memref<8x80xi32, #tpu.memory_space<vmem>> -> memref<1x80xi32, #tpu.memory_space<vmem>>
      %dma_wait3A_487 = tpu.memref_squeeze %dma_wait3A_486 : memref<1x80xi32, #tpu.memory_space<vmem>> -> memref<80xi32, #tpu.memory_space<vmem>>
      %dma_wait3A_488 = arith.constant 0 : i32
      %dma_wait3A_489 = arith.constant 0 : i32
      %dma_wait3A_490 = tpu.memref_slice %arg15[%dma_wait3A_488, %dma_wait3A_489] : memref<10240x128xf32, #tpu.memory_space<vmem_shared>> -> memref<10240x128xf32, #tpu.memory_space<vmem_shared>>
      tpu.wait_indirect_dma semaphore(%run_scoped3A_478 : memref<!tpu.dma_semaphore, #tpu.memory_space<semaphore_mem>>) src(%dma_wait3A_490 : memref<10240x128xf32, #tpu.memory_space<vmem_shared>>) dst(%arg11 : memref<80x128xf32, #tpu.memory_space<vmem>>)
      tpu.yield
    }) : () -> ()
    %add3A_447 = arith.constant 480 : i32
    %add3A_448 = arith.addi %add3A, %add3A_447 : i32
    %dma_start3A_449 = arith.constant 0 : i32
    %dma_start3A_450 = tpu.memref_slice %arg8[%add3A_448, %dma_start3A_449] : memref<20480x128xf32, #tpu.memory_space<hbm>> -> memref<80x128xf32, #tpu.memory_space<hbm>>
    %dma_start3A_451 = arith.constant 0 : i32
    %dma_start3A_452 = tpu.memref_slice %arg8[%add3A_448, %dma_start3A_451] : memref<20480x128xf32, #tpu.memory_space<hbm>> -> memref<80x128xf32, #tpu.memory_space<hbm>>
    tpu.enqueue_dma source(%arg11 : memref<80x128xf32, #tpu.memory_space<vmem>>) target(%dma_start3A_452 : memref<80x128xf32, #tpu.memory_space<hbm>>) target_semaphore(%arg18 : memref<!tpu.dma_semaphore, #tpu.memory_space<semaphore_mem>>)
    %add3A_453 = arith.constant 400 : i32
    %add3A_454 = arith.addi %add3A, %add3A_453 : i32
    %dma_wait3A_455 = arith.constant 0 : i32
    %dma_wait3A_456 = tpu.memref_slice %arg8[%add3A_454, %dma_wait3A_455] : memref<20480x128xf32, #tpu.memory_space<hbm>> -> memref<80x128xf32, #tpu.memory_space<hbm>>
    %dma_wait3A_457 = arith.constant 0 : i32
    %dma_wait3A_458 = tpu.memref_slice %arg8[%add3A_454, %dma_wait3A_457] : memref<20480x128xf32, #tpu.memory_space<hbm>> -> memref<80x128xf32, #tpu.memory_space<hbm>>
    tpu.wait_dma2 semaphore(%arg19 : memref<!tpu.dma_semaphore, #tpu.memory_space<semaphore_mem>>) src(%arg12 : memref<80x128xf32, #tpu.memory_space<vmem>>) dst(%dma_wait3A_458 : memref<80x128xf32, #tpu.memory_space<hbm>>)
    %run_scoped3A_459 = arith.constant 7 : i32
    "tpu.region"() ({
      %run_scoped3A_478 = tpu.sem_alloc : memref<!tpu.dma_semaphore, #tpu.memory_space<semaphore_mem>>
      %dma_start3A_479 = arith.constant 0 : i32
      %dma_start3A_480 = tpu.memref_slice %arg14[%run_scoped3A_459, %dma_start3A_479] : memref<8x80xi32, #tpu.memory_space<vmem>> -> memref<1x80xi32, #tpu.memory_space<vmem>>
      %dma_start3A_481 = tpu.memref_squeeze %dma_start3A_480 : memref<1x80xi32, #tpu.memory_space<vmem>> -> memref<80xi32, #tpu.memory_space<vmem>>
      %dma_start3A_482 = arith.constant 0 : i32
      %dma_start3A_483 = arith.constant 0 : i32
      %dma_start3A_484 = tpu.memref_slice %arg15[%dma_start3A_482, %dma_start3A_483] : memref<10240x128xf32, #tpu.memory_space<vmem_shared>> -> memref<10240x128xf32, #tpu.memory_space<vmem_shared>>
      tpu.enqueue_indirect_dma source(%dma_start3A_484 : memref<10240x128xf32, #tpu.memory_space<vmem_shared>>) target(%arg12 : memref<80x128xf32, #tpu.memory_space<vmem>>) offsets(%dma_start3A_481 : memref<80xi32, #tpu.memory_space<vmem>>) semaphore(%run_scoped3A_478 : memref<!tpu.dma_semaphore, #tpu.memory_space<semaphore_mem>>)
      %dma_wait3A_485 = arith.constant 0 : i32
      %dma_wait3A_486 = tpu.memref_slice %arg14[%run_scoped3A_459, %dma_wait3A_485] : memref<8x80xi32, #tpu.memory_space<vmem>> -> memref<1x80xi32, #tpu.memory_space<vmem>>
      %dma_wait3A_487 = tpu.memref_squeeze %dma_wait3A_486 : memref<1x80xi32, #tpu.memory_space<vmem>> -> memref<80xi32, #tpu.memory_space<vmem>>
      %dma_wait3A_488 = arith.constant 0 : i32
      %dma_wait3A_489 = arith.constant 0 : i32
      %dma_wait3A_490 = tpu.memref_slice %arg15[%dma_wait3A_488, %dma_wait3A_489] : memref<10240x128xf32, #tpu.memory_space<vmem_shared>> -> memref<10240x128xf32, #tpu.memory_space<vmem_shared>>
      tpu.wait_indirect_dma semaphore(%run_scoped3A_478 : memref<!tpu.dma_semaphore, #tpu.memory_space<semaphore_mem>>) src(%dma_wait3A_490 : memref<10240x128xf32, #tpu.memory_space<vmem_shared>>) dst(%arg12 : memref<80x128xf32, #tpu.memory_space<vmem>>)
      tpu.yield
    }) : () -> ()
    %add3A_460 = arith.constant 560 : i32
    %add3A_461 = arith.addi %add3A, %add3A_460 : i32
    %dma_start3A_462 = arith.constant 0 : i32
    %dma_start3A_463 = tpu.memref_slice %arg8[%add3A_461, %dma_start3A_462] : memref<20480x128xf32, #tpu.memory_space<hbm>> -> memref<80x128xf32, #tpu.memory_space<hbm>>
    %dma_start3A_464 = arith.constant 0 : i32
    %dma_start3A_465 = tpu.memref_slice %arg8[%add3A_461, %dma_start3A_464] : memref<20480x128xf32, #tpu.memory_space<hbm>> -> memref<80x128xf32, #tpu.memory_space<hbm>>
    tpu.enqueue_dma source(%arg12 : memref<80x128xf32, #tpu.memory_space<vmem>>) target(%dma_start3A_465 : memref<80x128xf32, #tpu.memory_space<hbm>>) target_semaphore(%arg19 : memref<!tpu.dma_semaphore, #tpu.memory_space<semaphore_mem>>)
    %add3A_466 = arith.constant 480 : i32
    %add3A_467 = arith.addi %add3A, %add3A_466 : i32
    %dma_wait3A_468 = arith.constant 0 : i32
    %dma_wait3A_469 = tpu.memref_slice %arg8[%add3A_467, %dma_wait3A_468] : memref<20480x128xf32, #tpu.memory_space<hbm>> -> memref<80x128xf32, #tpu.memory_space<hbm>>
    %dma_wait3A_470 = arith.constant 0 : i32
    %dma_wait3A_471 = tpu.memref_slice %arg8[%add3A_467, %dma_wait3A_470] : memref<20480x128xf32, #tpu.memory_space<hbm>> -> memref<80x128xf32, #tpu.memory_space<hbm>>
    tpu.wait_dma2 semaphore(%arg18 : memref<!tpu.dma_semaphore, #tpu.memory_space<semaphore_mem>>) src(%arg11 : memref<80x128xf32, #tpu.memory_space<vmem>>) dst(%dma_wait3A_471 : memref<80x128xf32, #tpu.memory_space<hbm>>)
    %add3A_472 = arith.constant 560 : i32
    %add3A_473 = arith.addi %add3A, %add3A_472 : i32
    %dma_wait3A_474 = arith.constant 0 : i32
    %dma_wait3A_475 = tpu.memref_slice %arg8[%add3A_473, %dma_wait3A_474] : memref<20480x128xf32, #tpu.memory_space<hbm>> -> memref<80x128xf32, #tpu.memory_space<hbm>>
    %dma_wait3A_476 = arith.constant 0 : i32
    %dma_wait3A_477 = tpu.memref_slice %arg8[%add3A_473, %dma_wait3A_476] : memref<20480x128xf32, #tpu.memory_space<hbm>> -> memref<80x128xf32, #tpu.memory_space<hbm>>
    tpu.wait_dma2 semaphore(%arg19 : memref<!tpu.dma_semaphore, #tpu.memory_space<semaphore_mem>>) src(%arg12 : memref<80x128xf32, #tpu.memory_space<vmem>>) dst(%dma_wait3A_477 : memref<80x128xf32, #tpu.memory_space<hbm>>)
    return
  }
}

module attributes {stable_mosaic.version = 14 : i64} {
  func.func @_prep_body(%arg0: i32, %arg1: i32, %arg2: memref<2560x128xf32, #tpu.memory_space<vmem>>, %arg3: memref<1x128xf32, #tpu.memory_space<vmem>>, %arg4: memref<1x128xf32, #tpu.memory_space<vmem>>, %arg5: memref<128x128xf32, #tpu.memory_space<vmem>>, %arg6: memref<1x128xf32, #tpu.memory_space<vmem>>, %arg7: memref<128x128xf32, #tpu.memory_space<vmem>>, %arg8: memref<1x128xf32, #tpu.memory_space<vmem>>, %arg9: memref<2560x128xf32, #tpu.memory_space<vmem>>, %arg10: memref<1x128xf32, #tpu.memory_space<vmem>>, %arg11: memref<1x128xf32, #tpu.memory_space<vmem>>) attributes {dimension_semantics = [#tpu.dimension_semantics<arbitrary>, #tpu.dimension_semantics<arbitrary>], iteration_bounds = array<i64: 2, 125>, scalar_prefetch = 0 : i64, scratch_operands = 2 : i64, tpu.core_type = #tpu.core_type<tc>, window_params = [{transform_indices = @transform_0, window_bounds = array<i64: 2560, 128>}, {pipeline_mode = #tpu.pipeline_mode<synchronous>, transform_indices = @transform_1, window_bounds = array<i64: 1, 128>}, {pipeline_mode = #tpu.pipeline_mode<synchronous>, transform_indices = @transform_2, window_bounds = array<i64: 1, 128>}, {pipeline_mode = #tpu.pipeline_mode<synchronous>, transform_indices = @transform_3, window_bounds = array<i64: 128, 128>}, {pipeline_mode = #tpu.pipeline_mode<synchronous>, transform_indices = @transform_4, window_bounds = array<i64: 1, 128>}, {pipeline_mode = #tpu.pipeline_mode<synchronous>, transform_indices = @transform_5, window_bounds = array<i64: 128, 128>}, {pipeline_mode = #tpu.pipeline_mode<synchronous>, transform_indices = @transform_6, window_bounds = array<i64: 1, 128>}, {transform_indices = @transform_7, window_bounds = array<i64: 2560, 128>}]} {
    %eq3A = arith.constant 0 : i32
    %eq3A_0 = arith.cmpi eq, %arg0, %eq3A : i32
    %convert_element_type3A = arith.extui %eq3A_0 : i1 to i32
    %cond3A = arith.constant 0 : i32
    %cond3A_1 = arith.cmpi ne, %convert_element_type3A, %cond3A : i32
    scf.if %cond3A_1 {
      %get3A = arith.constant 0 : index
      %get3A_7 = arith.constant 0 : index
      %get3A_8 = vector.load %arg2[%get3A, %get3A_7] : memref<2560x128xf32, #tpu.memory_space<vmem>>, vector<2560x128xf32>
      %reduce_sum3A = arith.constant dense<0.000000e+00> : vector<128xf32>
      %reduce_sum3A_9 = vector.multi_reduction <add>, %get3A_8, %reduce_sum3A [0] : vector<2560x128xf32> to vector<128xf32>
      %broadcast_in_dim3A = vector.shape_cast %reduce_sum3A_9 : vector<128xf32> to vector<1x128xf32>
      %mul3A = arith.mulf %get3A_8, %get3A_8 : vector<2560x128xf32>
      %reduce_sum3A_10 = arith.constant dense<0.000000e+00> : vector<128xf32>
      %reduce_sum3A_11 = vector.multi_reduction <add>, %mul3A, %reduce_sum3A_10 [0] : vector<2560x128xf32> to vector<128xf32>
      %broadcast_in_dim3A_12 = vector.shape_cast %reduce_sum3A_11 : vector<128xf32> to vector<1x128xf32>
      %eq3A_13 = arith.constant 0 : i32
      %eq3A_14 = arith.cmpi eq, %arg1, %eq3A_13 : i32
      %convert_element_type3A_15 = arith.extui %eq3A_14 : i1 to i32
      %cond3A_16 = arith.constant 0 : i32
      %cond3A_17 = arith.cmpi ne, %convert_element_type3A_15, %cond3A_16 : i32
      scf.if %cond3A_17 {
        %swap3A = arith.constant 0 : index
        %swap3A_27 = arith.constant 0 : index
        %swap3A_28 = vector.load %arg10[%swap3A, %swap3A_27] : memref<1x128xf32, #tpu.memory_space<vmem>>, vector<1x128xf32>
        tpu.vector_store %arg10[%swap3A, %swap3A_27], %broadcast_in_dim3A {strides = array<i32>} : memref<1x128xf32, #tpu.memory_space<vmem>>, vector<1x128xf32>,
        %swap3A_29 = arith.constant 0 : index
        %swap3A_30 = arith.constant 0 : index
        %swap3A_31 = vector.load %arg11[%swap3A_29, %swap3A_30] : memref<1x128xf32, #tpu.memory_space<vmem>>, vector<1x128xf32>
        tpu.vector_store %arg11[%swap3A_29, %swap3A_30], %broadcast_in_dim3A_12 {strides = array<i32>} : memref<1x128xf32, #tpu.memory_space<vmem>>, vector<1x128xf32>,
      } else {
      }
      %gt3A = arith.constant 0 : i32
      %gt3A_18 = arith.cmpi sgt, %arg1, %gt3A : i32
      %convert_element_type3A_19 = arith.extui %gt3A_18 : i1 to i32
      %cond3A_20 = arith.constant 0 : i32
      %cond3A_21 = arith.cmpi ne, %convert_element_type3A_19, %cond3A_20 : i32
      scf.if %cond3A_21 {
        %get3A_27 = arith.constant 0 : index
        %get3A_28 = arith.constant 0 : index
        %get3A_29 = vector.load %arg10[%get3A_27, %get3A_28] : memref<1x128xf32, #tpu.memory_space<vmem>>, vector<1x128xf32>
        %add3A = arith.addf %get3A_29, %broadcast_in_dim3A : vector<1x128xf32>
        %swap3A = arith.constant 0 : index
        %swap3A_30 = arith.constant 0 : index
        %swap3A_31 = vector.load %arg10[%swap3A, %swap3A_30] : memref<1x128xf32, #tpu.memory_space<vmem>>, vector<1x128xf32>
        tpu.vector_store %arg10[%swap3A, %swap3A_30], %add3A {strides = array<i32>} : memref<1x128xf32, #tpu.memory_space<vmem>>, vector<1x128xf32>,
        %get3A_32 = arith.constant 0 : index
        %get3A_33 = arith.constant 0 : index
        %get3A_34 = vector.load %arg11[%get3A_32, %get3A_33] : memref<1x128xf32, #tpu.memory_space<vmem>>, vector<1x128xf32>
        %add3A_35 = arith.addf %get3A_34, %broadcast_in_dim3A_12 : vector<1x128xf32>
        %swap3A_36 = arith.constant 0 : index
        %swap3A_37 = arith.constant 0 : index
        %swap3A_38 = vector.load %arg11[%swap3A_36, %swap3A_37] : memref<1x128xf32, #tpu.memory_space<vmem>>, vector<1x128xf32>
        tpu.vector_store %arg11[%swap3A_36, %swap3A_37], %add3A_35 {strides = array<i32>} : memref<1x128xf32, #tpu.memory_space<vmem>>, vector<1x128xf32>,
      } else {
      }
      %eq3A_22 = arith.constant 124 : i32
      %eq3A_23 = arith.cmpi eq, %arg1, %eq3A_22 : i32
      %convert_element_type3A_24 = arith.extui %eq3A_23 : i1 to i32
      %cond3A_25 = arith.constant 0 : i32
      %cond3A_26 = arith.cmpi ne, %convert_element_type3A_24, %cond3A_25 : i32
      scf.if %cond3A_26 {
        %get3A_27 = arith.constant 0 : index
        %get3A_28 = arith.constant 0 : index
        %get3A_29 = vector.load %arg10[%get3A_27, %get3A_28] : memref<1x128xf32, #tpu.memory_space<vmem>>, vector<1x128xf32>
        %mul3A_30 = arith.constant 3.125000e-06 : f32
        %mul3A_31 = vector.broadcast %mul3A_30 : f32 to vector<1x128xf32>
        %mul3A_32 = arith.mulf %get3A_29, %mul3A_31 : vector<1x128xf32>
        %get3A_33 = arith.constant 0 : index
        %get3A_34 = arith.constant 0 : index
        %get3A_35 = vector.load %arg11[%get3A_33, %get3A_34] : memref<1x128xf32, #tpu.memory_space<vmem>>, vector<1x128xf32>
        %mul3A_36 = arith.constant 3.125000e-06 : f32
        %mul3A_37 = vector.broadcast %mul3A_36 : f32 to vector<1x128xf32>
        %mul3A_38 = arith.mulf %get3A_35, %mul3A_37 : vector<1x128xf32>
        %mul3A_39 = arith.mulf %mul3A_32, %mul3A_32 : vector<1x128xf32>
        %sub3A = arith.subf %mul3A_38, %mul3A_39 : vector<1x128xf32>
        %get3A_40 = arith.constant 0 : index
        %get3A_41 = arith.constant 0 : index
        %get3A_42 = vector.load %arg3[%get3A_40, %get3A_41] : memref<1x128xf32, #tpu.memory_space<vmem>>, vector<1x128xf32>
        %add3A = arith.constant 9.99999974E-6 : f32
        %add3A_43 = vector.broadcast %add3A : f32 to vector<1x128xf32>
        %add3A_44 = arith.addf %sub3A, %add3A_43 : vector<1x128xf32>
        %rsqrt3A = math.rsqrt %add3A_44 : vector<1x128xf32>
        %mul3A_45 = arith.mulf %get3A_42, %rsqrt3A : vector<1x128xf32>
        %get3A_46 = arith.constant 0 : index
        %get3A_47 = arith.constant 0 : index
        %get3A_48 = vector.load %arg4[%get3A_46, %get3A_47] : memref<1x128xf32, #tpu.memory_space<vmem>>, vector<1x128xf32>
        %mul3A_49 = arith.mulf %mul3A_32, %mul3A_45 : vector<1x128xf32>
        %sub3A_50 = arith.subf %get3A_48, %mul3A_49 : vector<1x128xf32>
        %get3A_51 = arith.constant 0 : index
        %get3A_52 = arith.constant 0 : index
        %get3A_53 = vector.load %arg5[%get3A_51, %get3A_52] : memref<128x128xf32, #tpu.memory_space<vmem>>, vector<128x128xf32>
        %transpose3A = tpu.transpose %mul3A_45, [1, 0] : vector<1x128xf32> -> vector<128x1xf32>
        %mul3A_54 = vector.broadcast %transpose3A : vector<128x1xf32> to vector<128x128xf32>
        %mul3A_55 = arith.mulf %get3A_53, %mul3A_54 : vector<128x128xf32>
        %swap3A = arith.constant 0 : index
        %swap3A_56 = arith.constant 0 : index
        %swap3A_57 = vector.load %arg7[%swap3A, %swap3A_56] : memref<128x128xf32, #tpu.memory_space<vmem>>, vector<128x128xf32>
        tpu.vector_store %arg7[%swap3A, %swap3A_56], %mul3A_55 {strides = array<i32>} : memref<128x128xf32, #tpu.memory_space<vmem>>, vector<128x128xf32>,
        %get3A_58 = arith.constant 0 : index
        %get3A_59 = arith.constant 0 : index
        %get3A_60 = vector.load %arg5[%get3A_58, %get3A_59] : memref<128x128xf32, #tpu.memory_space<vmem>>, vector<128x128xf32>
        %dot_general3A = arith.constant dense<0.000000e+00> : vector<1x128xf32>
        %dot_general3A_61 = tpu.matmul %sub3A_50, %get3A_60, %dot_general3A {dimension_numbers = #tpu.dot_dimension_numbers<[1], [0], [0], [1], [0, 0, 1, 1], [], []>, precision = #tpu.contract_precision<fp32>, transpose_lhs_hint = false} : vector<1x128xf32>, vector<128x128xf32>, vector<1x128xf32> -> vector<1x128xf32>
        %get3A_62 = arith.constant 0 : index
        %get3A_63 = arith.constant 0 : index
        %get3A_64 = vector.load %arg6[%get3A_62, %get3A_63] : memref<1x128xf32, #tpu.memory_space<vmem>>, vector<1x128xf32>
        %add3A_65 = arith.addf %dot_general3A_61, %get3A_64 : vector<1x128xf32>
        %swap3A_66 = arith.constant 0 : index
        %swap3A_67 = arith.constant 0 : index
        %swap3A_68 = vector.load %arg8[%swap3A_66, %swap3A_67] : memref<1x128xf32, #tpu.memory_space<vmem>>, vector<1x128xf32>
        tpu.vector_store %arg8[%swap3A_66, %swap3A_67], %add3A_65 {strides = array<i32>} : memref<1x128xf32, #tpu.memory_space<vmem>>, vector<1x128xf32>,
      } else {
      }
    } else {
    }
    %eq3A_2 = arith.constant 1 : i32
    %eq3A_3 = arith.cmpi eq, %arg0, %eq3A_2 : i32
    %convert_element_type3A_4 = arith.extui %eq3A_3 : i1 to i32
    %cond3A_5 = arith.constant 0 : i32
    %cond3A_6 = arith.cmpi ne, %convert_element_type3A_4, %cond3A_5 : i32
    scf.if %cond3A_6 {
      %get3A = arith.constant 0 : index
      %get3A_7 = arith.constant 0 : index
      %get3A_8 = vector.load %arg2[%get3A, %get3A_7] : memref<2560x128xf32, #tpu.memory_space<vmem>>, vector<2560x128xf32>
      %get3A_9 = arith.constant 0 : index
      %get3A_10 = arith.constant 0 : index
      %get3A_11 = vector.load %arg7[%get3A_9, %get3A_10] : memref<128x128xf32, #tpu.memory_space<vmem>>, vector<128x128xf32>
      %convert_element_type3A_12 = arith.truncf %get3A_8 : vector<2560x128xf32> to vector<2560x128xbf16>
      %convert_element_type3A_13 = arith.extf %convert_element_type3A_12 : vector<2560x128xbf16> to vector<2560x128xf32>
      %sub3A = arith.subf %get3A_8, %convert_element_type3A_13 : vector<2560x128xf32>
      %convert_element_type3A_14 = arith.truncf %sub3A : vector<2560x128xf32> to vector<2560x128xbf16>
      %convert_element_type3A_15 = arith.truncf %get3A_11 : vector<128x128xf32> to vector<128x128xbf16>
      %convert_element_type3A_16 = arith.extf %convert_element_type3A_15 : vector<128x128xbf16> to vector<128x128xf32>
      %sub3A_17 = arith.subf %get3A_11, %convert_element_type3A_16 : vector<128x128xf32>
      %convert_element_type3A_18 = arith.truncf %sub3A_17 : vector<128x128xf32> to vector<128x128xbf16>
      %dot_general3A = arith.constant dense<0.000000e+00> : vector<2560x128xf32>
      %dot_general3A_19 = tpu.matmul %convert_element_type3A_12, %convert_element_type3A_18, %dot_general3A {dimension_numbers = #tpu.dot_dimension_numbers<[1], [0], [0], [1], [0, 0, 1, 1], [], []>, transpose_lhs_hint = false} : vector<2560x128xbf16>, vector<128x128xbf16>, vector<2560x128xf32> -> vector<2560x128xf32>
      %dot_general3A_20 = arith.constant dense<0.000000e+00> : vector<2560x128xf32>
      %dot_general3A_21 = tpu.matmul %convert_element_type3A_14, %convert_element_type3A_15, %dot_general3A_20 {dimension_numbers = #tpu.dot_dimension_numbers<[1], [0], [0], [1], [0, 0, 1, 1], [], []>, transpose_lhs_hint = false} : vector<2560x128xbf16>, vector<128x128xbf16>, vector<2560x128xf32> -> vector<2560x128xf32>
      %add3A = arith.addf %dot_general3A_19, %dot_general3A_21 : vector<2560x128xf32>
      %dot_general3A_22 = arith.constant dense<0.000000e+00> : vector<2560x128xf32>
      %dot_general3A_23 = tpu.matmul %convert_element_type3A_12, %convert_element_type3A_15, %dot_general3A_22 {dimension_numbers = #tpu.dot_dimension_numbers<[1], [0], [0], [1], [0, 0, 1, 1], [], []>, transpose_lhs_hint = false} : vector<2560x128xbf16>, vector<128x128xbf16>, vector<2560x128xf32> -> vector<2560x128xf32>
      %add3A_24 = arith.addf %add3A, %dot_general3A_23 : vector<2560x128xf32>
      %get3A_25 = arith.constant 0 : index
      %get3A_26 = arith.constant 0 : index
      %get3A_27 = vector.load %arg8[%get3A_25, %get3A_26] : memref<1x128xf32, #tpu.memory_space<vmem>>, vector<1x128xf32>
      %add3A_28 = vector.broadcast %get3A_27 : vector<1x128xf32> to vector<2560x128xf32>
      %add3A_29 = arith.addf %add3A_24, %add3A_28 : vector<2560x128xf32>
      %max3A = arith.constant 0.000000e+00 : f32
      %max3A_30 = vector.broadcast %max3A : f32 to vector<2560x128xf32>
      %max3A_31 = arith.maximumf %add3A_29, %max3A_30 : vector<2560x128xf32>
      %swap3A = arith.constant 0 : index
      %swap3A_32 = arith.constant 0 : index
      %swap3A_33 = vector.load %arg9[%swap3A, %swap3A_32] : memref<2560x128xf32, #tpu.memory_space<vmem>>, vector<2560x128xf32>
      tpu.vector_store %arg9[%swap3A, %swap3A_32], %max3A_31 {strides = array<i32>} : memref<2560x128xf32, #tpu.memory_space<vmem>>, vector<2560x128xf32>,
    } else {
    }
    return
  }
  func.func @transform_0(%arg0: i32, %arg1: i32) -> (i32, i32) {
    %c0_i32 = arith.constant 0 : i32
    %c0_i32_0 = arith.constant 0 : i32
    return %arg1, %c0_i32 : i32, i32
  }
  func.func @transform_1(%arg0: i32, %arg1: i32) -> (i32, i32) {
    %c0_i32 = arith.constant 0 : i32
    %c0_i32_0 = arith.constant 0 : i32
    %c0_i32_1 = arith.constant 0 : i32
    return %c0_i32, %c0_i32_0 : i32, i32
  }
  func.func @transform_2(%arg0: i32, %arg1: i32) -> (i32, i32) {
    %c0_i32 = arith.constant 0 : i32
    %c0_i32_0 = arith.constant 0 : i32
    %c0_i32_1 = arith.constant 0 : i32
    return %c0_i32, %c0_i32_0 : i32, i32
  }
  func.func @transform_3(%arg0: i32, %arg1: i32) -> (i32, i32) {
    %c0_i32 = arith.constant 0 : i32
    %c0_i32_0 = arith.constant 0 : i32
    %c0_i32_1 = arith.constant 0 : i32
    return %c0_i32, %c0_i32_0 : i32, i32
  }
  func.func @transform_4(%arg0: i32, %arg1: i32) -> (i32, i32) {
    %c0_i32 = arith.constant 0 : i32
    %c0_i32_0 = arith.constant 0 : i32
    %c0_i32_1 = arith.constant 0 : i32
    return %c0_i32, %c0_i32_0 : i32, i32
  }
  func.func @transform_5(%arg0: i32, %arg1: i32) -> (i32, i32) {
    %c0_i32 = arith.constant 0 : i32
    %c0_i32_0 = arith.constant 0 : i32
    %c0_i32_1 = arith.constant 0 : i32
    return %c0_i32, %c0_i32_0 : i32, i32
  }
  func.func @transform_6(%arg0: i32, %arg1: i32) -> (i32, i32) {
    %c0_i32 = arith.constant 0 : i32
    %c0_i32_0 = arith.constant 0 : i32
    %c0_i32_1 = arith.constant 0 : i32
    return %c0_i32, %c0_i32_0 : i32, i32
  }
  func.func @transform_7(%arg0: i32, %arg1: i32) -> (i32, i32) {
    %mul3A = arith.muli %arg0, %arg1 : i32
    %c0_i32 = arith.constant 0 : i32
    %c0_i32_0 = arith.constant 0 : i32
    return %mul3A, %c0_i32 : i32, i32
  }
}

module attributes {stable_mosaic.version = 14 : i64} {
  func.func @_combine_body(%arg0: i32, %arg1: memref<2x2000x128xf32, #tpu.memory_space<vmem>>, %arg2: memref<2x2000x128xf32, #tpu.memory_space<vmem>>, %arg3: memref<2000x128xf32, #tpu.memory_space<vmem>>) attributes {dimension_semantics = [#tpu.dimension_semantics<arbitrary>], iteration_bounds = array<i64: 5>, scalar_prefetch = 0 : i64, scratch_operands = 0 : i64, tpu.core_type = #tpu.core_type<tc>, window_params = [{transform_indices = @transform_0, window_bounds = array<i64: 2, 2000, 128>}, {transform_indices = @transform_1, window_bounds = array<i64: 2, 2000, 128>}, {transform_indices = @transform_2, window_bounds = array<i64: 2000, 128>}]} {
    %get3A = arith.constant 0 : index
    %get3A_0 = arith.constant 0 : index
    %get3A_1 = arith.constant 0 : index
    %get3A_2 = vector.load %arg1[%get3A, %get3A_0, %get3A_1] : memref<2x2000x128xf32, #tpu.memory_space<vmem>>, vector<1x2000x128xf32>
    %get3A_3 = vector.shape_cast %get3A_2 : vector<1x2000x128xf32> to vector<2000x128xf32>
    %get3A_4 = arith.constant 1 : index
    %get3A_5 = arith.constant 0 : index
    %get3A_6 = arith.constant 0 : index
    %get3A_7 = vector.load %arg1[%get3A_4, %get3A_5, %get3A_6] : memref<2x2000x128xf32, #tpu.memory_space<vmem>>, vector<1x2000x128xf32>
    %get3A_8 = vector.shape_cast %get3A_7 : vector<1x2000x128xf32> to vector<2000x128xf32>
    %add3A = arith.addf %get3A_3, %get3A_8 : vector<2000x128xf32>
    %get3A_9 = arith.constant 0 : index
    %get3A_10 = arith.constant 0 : index
    %get3A_11 = arith.constant 0 : index
    %get3A_12 = vector.load %arg2[%get3A_9, %get3A_10, %get3A_11] : memref<2x2000x128xf32, #tpu.memory_space<vmem>>, vector<1x2000x1xf32>
    %get3A_13 = vector.shape_cast %get3A_12 : vector<1x2000x1xf32> to vector<2000x1xf32>
    %get3A_14 = arith.constant 1 : index
    %get3A_15 = arith.constant 0 : index
    %get3A_16 = arith.constant 0 : index
    %get3A_17 = vector.load %arg2[%get3A_14, %get3A_15, %get3A_16] : memref<2x2000x128xf32, #tpu.memory_space<vmem>>, vector<1x2000x1xf32>
    %get3A_18 = vector.shape_cast %get3A_17 : vector<1x2000x1xf32> to vector<2000x1xf32>
    %add3A_19 = arith.addf %get3A_13, %get3A_18 : vector<2000x1xf32>
    %max3A = arith.constant 1.000000e+00 : f32
    %max3A_20 = vector.broadcast %max3A : f32 to vector<2000x1xf32>
    %max3A_21 = arith.maximumf %add3A_19, %max3A_20 : vector<2000x1xf32>
    %div3A = vector.broadcast %max3A_21 : vector<2000x1xf32> to vector<2000x128xf32>
    %div3A_22 = arith.divf %add3A, %div3A : vector<2000x128xf32>
    %swap3A = arith.constant 0 : index
    %swap3A_23 = arith.constant 0 : index
    %swap3A_24 = vector.load %arg3[%swap3A, %swap3A_23] : memref<2000x128xf32, #tpu.memory_space<vmem>>, vector<2000x128xf32>
    tpu.vector_store %arg3[%swap3A, %swap3A_23], %div3A_22 {strides = array<i32>} : memref<2000x128xf32, #tpu.memory_space<vmem>>, vector<2000x128xf32>,
    return
  }
  func.func @transform_0(%arg0: i32) -> (i32, i32, i32) {
    %c0_i32 = arith.constant 0 : i32
    %c0_i32_0 = arith.constant 0 : i32
    %c0_i32_1 = arith.constant 0 : i32
    return %c0_i32, %arg0, %c0_i32_0 : i32, i32, i32
  }
  func.func @transform_1(%arg0: i32) -> (i32, i32, i32) {
    %c0_i32 = arith.constant 0 : i32
    %c0_i32_0 = arith.constant 0 : i32
    %c0_i32_1 = arith.constant 0 : i32
    return %c0_i32, %arg0, %c0_i32_0 : i32, i32, i32
  }
  func.func @transform_2(%arg0: i32) -> (i32, i32) {
    %c0_i32 = arith.constant 0 : i32
    %c0_i32_0 = arith.constant 0 : i32
    return %arg0, %c0_i32 : i32, i32
  }
}

</mosaic_0001>

<sc_bundles>
// kernel: kernel.5.cloned.1.call-start
scs
__scs_entry_jumppad:
0x0: {  	(pc) =	sbr.rel $0x88, $3  }
0x1: {  	(tag) =	ssettag $0x0;
	lr =	simm.s32 $0x1  }
0x2: {  	[smem:$0x3F9B] =	sst lr;
	_ =	strace $0xD0000000  }
0x3: {  	_ = 	snop  }
0x4: {  	_ = 	snop  }
0x5: {  	_ = 	snop  }
0x6: {  	_ = 	snop  }
0x7: {  	_ = 	snop  }
__scs_overlays_trampoline_lowered:
0x8: {  	[smem:$0x3FAA] =	sst s0  }
0x9: {  	[smem:$0x3FAB] =	sst s1  }
0xa: {  	[smem:$0x3FAC] =	sst s2  }
0xb: {  	[smem:$0x3FAD] =	sst s3  }
0xc: {  	[smem:$0x3FAE] =	sst s4  }
0xd: {  	[smem:$0x3FAF] =	sst s5  }
0xe: {  	[smem:$0x3FB0] =	sst s6  }
0xf: {  	[smem:$0x3FB1] =	sst s7  }
0x10: {  	[smem:$0x3FB2] =	sst s8  }
0x11: {  	[smem:$0x3FB3] =	sst s9;
	s0 =	simm.s32 @!p0 $0x0  }
0x12: {  	s1 =	sld [smem:$0x3F99];
	s0 =	simm.s32 @p0 $0x1  }
0x13: {  	[smem:$0x3FB4] =	sst s0;
	s0 =	simm.s32 @!p1 $0x0  }
0x14: {  	s2 =	sld [smem:$0x3F98];
	s0 =	simm.s32 @p1 $0x1  }
0x15: {  	[smem:$0x3FB5] =	sst s0;
	s0 =	simm.s32 @!p2 $0x0  }
0x16: {  	s3 =	sld [smem:$0x3FDB];
	s0 =	simm.s32 @p2 $0x1  }
0x17: {  	s4 =	simm.s32 $0x1BF5;
	[smem:$0x3FB7] =	sst s0  }
0x18: {  	s0 =	sld [smem:$0x3F9A];
	_ =	swait.ge [sflag:s4], $0x0  }
0x19: {  	s7 =	sld [smem:$0x3F9B]  }
0x1a: {  	s8 =	sadd.s32 $0xFFFFE003, lr  }
0x1b: {  	s9 =	sadd.s32 $0xFFFFFEF7, lr;
	s5 =	simm.s32 $0xFFFFFFFF;
	p2 =	slt.u32 s8, $0xFFFFF086  }
0x1c: {  	p1 =	slt.u32 s9, $0xF7A;
	s5 =	simm.s32 @!p2 $0x0  }
0x1d: {  	s5 =	simm.s32 @p1 $0x1;
	p0 =	seq.s32 s7, s2  }
0x1e: {  	s7 =	smul.u32 @!p0 $0xF7A, s2;
	p2 =	seq.s32 @!p0 s5, $0x0  }
0x1f: {  	s9 =	smul.u32 $0xF7A, s1;
	s8 =	simm.s32 @!p0 $0x1BF5;
	p2 =	por !p2, p0  }
0x20: {  	[sflag:s8] =	ssyncset.s32 @!p0 $0xFFFFF086;
	s6 =	sadd.s32 @!p0 s3, s7;
	s7 =	simm.s32 @!p0 $0x108  }
0x21: {  	s3 =	sadd.s32 s3, s9;
	s6 =	sadd.s32 @!p0 $0x88, s6;
	s7 =	simm.s32 @p2 $0x1082  }
0x22: {  	[simem:s7], [sflag:s8] =	dma.local @!p0 [hbm:s6], $0xF7A  }
0x23: {  	s9 =	sor.u32 $0xD0000000, s2;
	s6 =	simm.s32 $0x108;
	_ =	swait.ge @!p0 [sflag:s8], $0x0  }
0x24: {  	s3 =	sadd.s32 $0x88, s3;
	s6 =	simm.s32 @!p1 $0x1082;
	[sflag:s4] =	ssyncset.s32 $0xFFFFF086  }
0x25: {  	[simem:s6], [sflag:s4] =	dma.local [hbm:s3], $0xF7A  }
0x26: {  	[smem:$0x3F9B] =	sst s1;
	(tag) =	ssettag s2;
	_ =	strace s9  }
0x27: {  	s1 =	sld [smem:$0x3FAB]  }
0x28: {  	s2 =	sld [smem:$0x3FAC]  }
0x29: {  	s4 =	sld [smem:$0x3FAE]  }
0x2a: {  	p0 =	seq.s32 s5, $0x0;
	s5 =	sld [smem:$0x3FAF]  }
0x2b: {  	s6 =	sld [smem:$0x3FB0]  }
0x2c: {  	s7 =	sld [smem:$0x3FB1]  }
0x2d: {  	s3 =	simm.s32 $0x108;
	s8 =	sld [smem:$0x3FB2]  }
0x2e: {  	s3 =	simm.s32 @!p0 $0x1082;
	s9 =	sld [smem:$0x3FB3]  }
0x2f: {  	lr =	sadd.s32 s0, s3;
	s0 =	sld [smem:$0x3FAA]  }
0x30: {  	s3 =	sld [smem:$0x3FAD]  }
0x31: {  	[smem:$0x3FB6] =	sst s10  }
0x32: {  	s10 =	sld [smem:$0x3FB4];
	_ =	sdelay $0x3  }
0x33: {  	p0 =	seq.s32 s10, $0x1;
	s10 =	sld [smem:$0x3FB6];
	_ =	sdelay $0x3  }
0x34: {  	[smem:$0x3FB6] =	sst s10  }
0x35: {  	s10 =	sld [smem:$0x3FB5];
	_ =	sdelay $0x3  }
0x36: {  	p1 =	seq.s32 s10, $0x1;
	s10 =	sld [smem:$0x3FB6];
	_ =	sdelay $0x3  }
0x37: {  	[smem:$0x3FB6] =	sst s10  }
0x38: {  	s10 =	sld [smem:$0x3FB7]  }
0x39: {  	_ = 	snop;
	(pc) =	sbr.ind lr, $3  }
0x3a: {  	_ = 	snop  }
0x3b: {  	_ = 	snop  }
0x3c: {  	p2 =	seq.s32 s10, $0x1;
	s10 =	sld [smem:$0x3FB6]  }
0x3d: {  	_ =	shalt  }
0x3e: {  	_ =	shalt  }
0x3f: {  	_ =	shalt  }
0x40: {  	_ =	shalt  }
0x41: {  	_ =	shalt  }
0x42: {  	_ =	shalt  }
0x43: {  	_ =	shalt  }
0x44: {  	_ =	shalt  }
0x45: {  	_ =	shalt  }
0x46: {  	_ =	shalt  }
0x47: {  	_ =	shalt  }
0x48: {  	_ =	shalt  }
0x49: {  	_ =	shalt  }
0x4a: {  	_ =	shalt  }
0x4b: {  	_ =	shalt  }
0x4c: {  	_ =	shalt  }
0x4d: {  	_ =	shalt  }
0x4e: {  	_ =	shalt  }
0x4f: {  	_ =	shalt  }
0x50: {  	_ =	shalt  }
0x51: {  	_ =	shalt  }
0x52: {  	_ =	shalt  }
0x53: {  	_ =	shalt  }
0x54: {  	_ =	shalt  }
0x55: {  	_ =	shalt  }
0x56: {  	_ =	shalt  }
0x57: {  	_ =	shalt  }
0x58: {  	_ =	shalt  }
0x59: {  	_ =	shalt  }
0x5a: {  	_ =	shalt  }
0x5b: {  	_ =	shalt  }
0x5c: {  	_ =	shalt  }
0x5d: {  	_ =	shalt  }
0x5e: {  	_ =	shalt  }
0x5f: {  	_ =	shalt  }
0x60: {  	_ =	shalt  }
0x61: {  	_ =	shalt  }
0x62: {  	_ =	shalt  }
0x63: {  	_ =	shalt  }
0x64: {  	_ =	shalt  }
0x65: {  	_ =	shalt  }
0x66: {  	_ =	shalt  }
0x67: {  	_ =	shalt  }
0x68: {  	_ =	shalt  }
0x69: {  	_ =	shalt  }
0x6a: {  	_ =	shalt  }
0x6b: {  	_ =	shalt  }
0x6c: {  	_ =	shalt  }
0x6d: {  	_ =	shalt  }
0x6e: {  	_ =	shalt  }
0x6f: {  	_ =	shalt  }
0x70: {  	_ =	shalt  }
0x71: {  	_ =	shalt  }
0x72: {  	_ =	shalt  }
0x73: {  	_ =	shalt  }
0x74: {  	_ =	shalt  }
0x75: {  	_ =	shalt  }
0x76: {  	_ =	shalt  }
0x77: {  	_ =	shalt  }
0x78: {  	_ =	shalt  }
0x79: {  	_ =	shalt  }
0x7a: {  	_ =	shalt  }
0x7b: {  	_ =	shalt  }
0x7c: {  	_ =	shalt  }
0x7d: {  	_ =	shalt  }
0x7e: {  	_ =	shalt  }
0x7f: {  	_ =	shalt  }
0x80: {  	_ =	shalt  }
0x81: {  	_ =	shalt  }
0x82: {  	_ =	shalt  }
0x83: {  	_ =	shalt  }
0x84: {  	_ =	shalt  }
0x85: {  	_ =	shalt  }
0x86: {  	_ =	shalt  }
0x87: {  	_ =	shalt  }
.Lfunc_end0:
.L_simem_size_0:
called_computation_lowered:
.L_overlay_start_0:
0x88: {  	s2 =	sld [smem:$0x3FD9]  }
0x89: {  	s3 =	sld [smem:$0x3FFE];
	_ =	sdelay $0x1  }
0x8a: {  	s1 =	srdreg.scid  }
0x8b: {  	s0 =	sand.u32 $0x1, s1  }
0x8c: {  	s17 =	sshll.u32 s0, $0xA;
	s2 =	sadd.s32 s3, s2  }
0x8d: {  	s2 =	sadd.s32 s2, s17  }
0x8e: {  	[smem:$0x3FC2] =	sst s2  }
0x8f: {  	_ = 	snop  }
0x90: {  	s2 =	sld [smem:$0x3FD0];
	(tm) =	ssettm $0x1  }
0x91: {  	s18 =	sld [smem:$0x3FFB];
	_ =	sdelay $0x3  }
0x92: {  	_ =	strace s18  }
0x93: {  	s3 =	sld [smem:$0x3FFC];
	_ =	sdelay $0x3  }
0x94: {  	_ =	strace s3  }
0x95: {  	s3 =	sld [smem:$0x3FFD];
	_ =	sdelay $0x3  }
0x96: {  	_ =	strace s3  }
0x97: {  	_ =	strace $0x8FFFFFFF  }
0x98: {  	s19 =	sld [smem:$0x3FDB];
	_ =	sdelay $0x1  }
0x99: {  	s4 =	simm.s32 $_scs_section_size  }
0x9a: {  	s5 =	simm.s32 $_size__tile_overlayer_lowered;
	s6 =	simm.s32 $_tile_overlayer_lowered  }
0x9b: {  	s22 =	simm.s32 $0x1BFF;
	s21 =	sshll.u32 s6, $0x1;
	s3 =	sadd.s32 s4, s19  }
0x9c: {  	s7 =	simm.s32 $0x0;
	s20 =	sshll.u32 s5, $0x1;
	s5 =	sadd.s32 s21, s3  }
0x9d: {  	[timem:s7], [sflag:s22] =	dma.local [hbm:s5], s20  }
0x9e: {  	_ =	swait.ge [sflag:s22], s20  }
0x9f: {  	s4 =	ssub.s32 $0x0, s20;
	[sflag:s22] =	ssyncset.done $0x0  }
0xa0: {  	[sflag:s22] =	ssyncadd.s32 s4;
	_ =	sdelay $0x1  }
0xa1: {  	s23 =	simm.s32 $0x1B8B  }
0xa2: {  	_ =	swait.ge [sflag:s23], $0x1  }
0xa3: {  	[sflag:s23] =	ssyncset.done $0x0  }
0xa4: {  	s25 =	simm.s32 $0x1B8E;
	s24 =	sld [smem:$0x3FFE];
	[sflag:s23] =	ssyncadd.s32 $0xFFFFFFFF  }
0xa5: {  	s26 =	simm.s32 $execute0_lowered;
	[smem:$0x3FD2] =	sst s25  }
0xa6: {  	s5 =	sshll.u32 s26, $0x1;
	_ =	strace $0x80000046;
	[dreg:$0x1] =	wrdreg $0xFFFFFFFF  }
0xa7: {  	s28 =	simm.s32 $_size_execute0_lowered;
	s3 =	sadd.s32 s3, s5;
	[dreg:$0x0] =	wrdreg $0x0  }
0xa8: {  	s5 =	sshll.u32 s28, $0x1;
	[dreg:$0x2] =	wrdreg s3  }
0xa9: {  	[dreg:$0x3] =	wrdreg s5  }
0xaa: {  	[dreg:$0x4] =	wrdreg $0xC0  }
0xab: {  	_ =	task [dreg:s7], $0x5FFFF  }
0xac: {  	[dreg:$0x1] =	wrdreg $0xFFFFFFFF  }
0xad: {  	[dreg:$0x0] =	wrdreg $0x60  }
0xae: {  	[dreg:$0x2] =	wrdreg s24  }
0xaf: {  	[dreg:$0x3] =	wrdreg s2  }
0xb0: {  	[dreg:$0x4] =	wrdreg $0x7D000  }
0xb1: {  	[dreg:$0x5] =	wrdreg $0x9  }
0xb2: {  	_ =	task.clear_ibuf [dreg:s7], $0x6FFFF;
	_ =	strace $0x90000046  }
0xb3: {  	s29 =	simm.s32 $0x9;
	_ =	strace $0x80000048  }
0xb4: {  	_ =	swait.ge [sflag:s29], $0x1  }
0xb5: {  	[sflag:s29] =	ssyncadd.s32 $0xFFFFFFFF  }
0xb6: {  	_ =	strace $0x90000048  }
0xb7: {  	_ =	sfence  }
0xb8: {  	s30 =	sld [smem:$0x0];
	_ =	sdelay $0x2  }
0xb9: {  	s31 =	sshll.u32 s1, $0xD;
	s1 =	sshrl.u32 s1, $0x2  }
0xba: {  	s3 =	sand.u32 $0x4000, s31;
	s1 =	sadd.s32 s1, s30  }
0xbb: {  	s0 =	sor.u32 s3, s0;
	s1 =	sshll.u32 s1, $0x11  }
0xbc: {  	s0 =	sor.u32 s1, s0  }
0xbd: {  	s0 =	sadd.s32 $0x8F2B, s0  }
0xbe: {  	[sflag:s0] =	ssyncadd.remote.s32 $0x1  }
0xbf: {  	_ =	sfence.sel $0xFFFF  }
0xc0: {  	[dreg:$0x0] =	wrdreg $0xFFFFFFFF;
	(pc) =	sbr.abs _section_cstart, $3  }
0xc1: {  	[dreg:$0x1] =	wrdreg $0xFFFFFFFF  }
0xc2: {  	_ =	task.clear_ibuf [dreg:s7], $0x2FFFF;
	_ =	strace $0x9FFFFFFF  }
0xc3: {  	(tm) =	ssettm $0x7FFFFFFF  }
tec
execute0_lowered:
.L_overlay_start_1:
0x0: {  	(tag) =	ssettag $0x1  }
0x1: {  	s16 =	stileid.u32;
	s2 =	srdreg.scid  }
0x2: {  	s2 =	sand.u32 $0x1, s2;
	s3 =	smul.u32 $0x280, s16  }
0x3: {  	s0 =	rddreg [dreg:$0x0];
	s5 =	smul.u32 $0x2800, s2;
	s6 =	sshll.u32 s2, $0x4  }
0x4: {  	s1 =	rddreg [dreg:$0x1];
	s6 =	sor.u32 s16, s6  }
0x5: {  	s4 =	sadd.s32 $0x2400, s0;
	s3 =	sadd.s32 s3, s5;
	s14 =	smul.u32 $0x27100, s6  }
0x6: {  	s7 =	sadd.s32 $0x4E4A00, s0;
	s10 =	sadd.s32 $0x534A00, s0;
	s3 =	sshll.u32 s3, $0x4  }
0x7: {  	s5 =	sadd.s32 s4, s14;
	s15 =	sadd.s32 s7, s3;
	s17 =	sor.u32 $0x500, s3  }
0x8: {  	s19 =	sadd.s32 $0xA00, s3;
	s11 =	sadd.s32 $0xF00, s3;
	s21 =	sadd.s32 $0x1400, s3  }
0x9: {  	s22 =	sadd.s32 $0x1900, s3;
	s14 =	sadd.s32 $0x1E00, s3;
	[dreg:$0x4] =	wrdreg s5  }
0xa: {  	s24 =	sadd.s32 $0x2300, s3;
	s3 =	sadd.s32 s10, s3;
	[dreg:$0x5] =	wrdreg s15  }
0xb: {  	s18 =	sadd.s32 s7, s17;
	[dreg:$0xd] =	wrdreg s3  }
0xc: {  	s12 =	sadd.s32 s7, s19;
	s26 =	sadd.s32 s10, s19;
	s19 =	rddreg [dreg:$0x2]  }
0xd: {  	[dreg:$0x6] =	wrdreg s18  }
0xe: {  	s20 =	sadd.s32 s7, s11;
	[dreg:$0x7] =	wrdreg s12  }
0xf: {  	s13 =	sadd.s32 s7, s21;
	[dreg:$0x8] =	wrdreg s20  }
0x10: {  	s31 =	simm.s32 $0x100;
	s15 =	sadd.s32 s7, s22;
	[dreg:$0x9] =	wrdreg s13  }
0x11: {  	s8 =	ssub.s32 $0x2, s2;
	s23 =	sadd.s32 s7, s14;
	[dreg:$0xa] =	wrdreg s15  }
0x12: {  	s9 =	sshrl.u32 s8, $0x1;
	s7 =	sadd.s32 s7, s24;
	[dreg:$0xb] =	wrdreg s23  }
0x13: {  	s8 =	ssub.s32 s8, s9;
	s25 =	sadd.s32 s10, s17;
	[dreg:$0xc] =	wrdreg s7  }
0x14: {  	s5 =	sadd.s32 s10, s11;
	s9 =	sadd.s32 s10, s21;
	[dreg:$0xe] =	wrdreg s25  }
0x15: {  	s11 =	sadd.s32 s10, s22;
	s21 =	simm.s32 $0x0;
	[dreg:$0xf] =	wrdreg s26  }
0x16: {  	s17 =	smul.u32 $0x2710, s6;
	s22 =	sadd.s32 $0x4E4400, s0;
	[dreg:$0x10] =	wrdreg s5  }
0x17: {  	s6 =	simm.s32 $0x7A80;
	s7 =	smul.u32 $0x271000, s2;
	[dreg:$0x11] =	wrdreg s9  }
0x18: {  	[dreg:$0x12] =	wrdreg s11;
	s12 =	sadd.s32 s10, s14;
	s14 =	smul.u32 $0x27100, s16  }
0x19: {  	s13 =	sadd.s32 s10, s24;
	s2 =	smul.u32 $0x27100, s2;
	[smem:$0x7FF] =	sst s21  }
0x1a: {  	s15 =	smul.u32 $0x2710, s16;
	s18 =	sshll.u32 s16, $0x7;
	s26 =	smax.u32 s8, $0x1  }
0x1b: {  	s5 =	simm.s32 $0x7A00;
	s8 =	simm.s32 $0x7B80;
	s9 =	simm.s32 $0x7C00  }
0x1c: {  	s10 =	simm.s32 $0x7C80;
	s11 =	simm.s32 $0x4;
	[dreg:$0x13] =	wrdreg s12  }
0x1d: {  	s16 =	simm.s32 $0x2;
	[dreg:$0x14] =	wrdreg s13;
	s20 =	sadd.s32 s18, s0  }
0x1e: {  	s0 =	sadd.s32 $0x1A00, s0;
	s23 =	sshrl.u32 s17, $0x3;
	s12 =	simm.s32 $0x80  }
0x1f: {  	s13 =	simm.s32 $0x2900;
	s17 =	simm.s32 $0x0;
	s3 =	sadd.s32 s7, s4  }
0x20: {  	s2 =	sadd.s32 s15, s2;
	_ =	strace $0x80000047;
	[dreg:$0x15] =	wrdreg s0  }
0x21: {  	s4 =	sadd.s32 $0x1200, s20;
	s25 =	sadd.s32 s1, s23;
	[dreg:$0x17] =	wrdreg s26  }
0x22: {  	s20 =	simm.s32 $0x5;
	s26 =	simm.s32 $0x7980;
	s7 =	simm.s32 $0x7B00  }
0x23: {  	s15 =	simm.s32 $0x3;
	s3 =	sadd.s32 s14, s3;
	[dreg:$0x16] =	wrdreg s4  }
0x24: {  	s24 =	sadd.s32 $0x50, s2;
	s29 =	sadd.s32 $0xA0, s2;
	s2 =	simm.s32 $0x7900  }
0x25: {  	s14 =	simm.s32 $0x1;
	s28 =	sadd.s32 $0xA00, s3;
	s0 =	sshrl.u32 s24, $0x3  }
0x26: {  	s3 =	simm.s32 $0x50;
	s30 =	sadd.s32 s0, s1;
	s0 =	simm.s32 $0x5100  }
.LBB2_1:
0x27: {  	[tilespmem:s31], [sflag:$0x5] =	stream.linear.gather [hbm4b:s22+s21], $0x2800, $0x38;
	[tilespmem:$0x1BD00] =	vst v63  }
0x28: {  	_ =	swait.ge [sflag:s20], $0x2800  }
0x29: {  	[sflag:s20] =	ssyncset.done $0x0  }
0x2a: {  	s4 =	rddreg [dreg:$0x15];
	[sflag:s20] =	ssyncadd.s32 $0xFFFFD800  }
0x2b: {  	[tilespmem:s0], [sflag:$0x5] =	stream.linear.gather [hbm4b:s4+s21], $0x2800, $0x38;
	[tilespmem:$0x1BD00] =	vst v63  }
0x2c: {  	_ =	swait.ge [sflag:s20], $0x2800  }
0x2d: {  	[sflag:s20] =	ssyncset.done $0x0  }
0x2e: {  	s23 =	rddreg [dreg:$0x16];
	[sflag:s20] =	ssyncadd.s32 $0xFFFFD800  }
0x2f: {  	[tilespmem:s2], [sflag:$0x5] =	stream.linear.gather [hbm4b:s23+s21], $0x400, $0x38;
	[tilespmem:$0x1BD00] =	vst v63  }
0x30: {  	_ =	swait.ge [sflag:s20], $0x400  }
0x31: {  	[sflag:s20] =	ssyncset.done $0x0  }
0x32: {  	[sflag:s20] =	ssyncadd.s32 $0xFFFFFC00  }
0x33: {  	[spmem:s19] =	stream.indirect.scatter [tilespmem:s31], [sflag:$0x4], $0x80, s2, s3, $0xb8;
	[tilespmem:$0x1BD00] =	vst v63  }
0x34: {  	_ = 	snop  }
0x35: {  	[spmem:s19] =	stream.indirect.scatter [tilespmem:s31], [sflag:$0x4], $0x80, s26, s3, $0xb8;
	[tilespmem:$0x1BD00] =	vst v63  }
0x36: {  	_ = 	snop  }
0x37: {  	[spmem:s19] =	stream.indirect.scatter [tilespmem:s31], [sflag:$0x4], $0x80, s5, s3, $0xb8;
	[tilespmem:$0x1BD00] =	vst v63  }
0x38: {  	_ = 	snop  }
0x39: {  	[spmem:s19] =	stream.indirect.scatter [tilespmem:s31], [sflag:$0x4], $0x80, s6, s3, $0xb8;
	[tilespmem:$0x1BD00] =	vst v63  }
0x3a: {  	_ = 	snop  }
0x3b: {  	[spmem:s19] =	stream.indirect.scatter [tilespmem:s31], [sflag:$0x4], $0x80, s7, s3, $0xb8;
	[tilespmem:$0x1BD00] =	vst v63  }
0x3c: {  	_ = 	snop  }
0x3d: {  	[spmem:s19] =	stream.indirect.scatter [tilespmem:s31], [sflag:$0x4], $0x80, s8, s3, $0xb8;
	[tilespmem:$0x1BD00] =	vst v63  }
0x3e: {  	_ = 	snop  }
0x3f: {  	[spmem:s19] =	stream.indirect.scatter [tilespmem:s31], [sflag:$0x4], $0x80, s9, s3, $0xb8;
	[tilespmem:$0x1BD00] =	vst v63  }
0x40: {  	_ = 	snop  }
0x41: {  	[spmem:s19] =	stream.indirect.scatter [tilespmem:s31], [sflag:$0x4], $0x80, s10, s3, $0xb8;
	[tilespmem:$0x1BD00] =	vst v63  }
0x42: {  	_ =	swait.ge [sflag:s11], $0x2800  }
0x43: {  	[sflag:s11] =	ssyncset.done $0x0  }
0x44: {  	[sflag:s11] =	ssyncadd.s32 $0xFFFFD800  }
0x45: {  	_ =	swait.ge [sflag:s11], $0x2800  }
0x46: {  	[sflag:s11] =	ssyncset.done $0x0  }
0x47: {  	[sflag:s11] =	ssyncadd.s32 $0xFFFFD800  }
0x48: {  	_ =	swait.ge [sflag:s11], $0x2800  }
0x49: {  	[sflag:s11] =	ssyncset.done $0x0  }
0x4a: {  	[sflag:s11] =	ssyncadd.s32 $0xFFFFD800  }
0x4b: {  	_ =	swait.ge [sflag:s11], $0x2800  }
0x4c: {  	[sflag:s11] =	ssyncset.done $0x0  }
0x4d: {  	[sflag:s11] =	ssyncadd.s32 $0xFFFFD800  }
0x4e: {  	_ =	swait.ge [sflag:s11], $0x2800  }
0x4f: {  	[sflag:s11] =	ssyncset.done $0x0  }
0x50: {  	[sflag:s11] =	ssyncadd.s32 $0xFFFFD800  }
0x51: {  	_ =	swait.ge [sflag:s11], $0x2800  }
0x52: {  	[sflag:s11] =	ssyncset.done $0x0  }
0x53: {  	[sflag:s11] =	ssyncadd.s32 $0xFFFFD800  }
0x54: {  	_ =	swait.ge [sflag:s11], $0x2800  }
0x55: {  	[sflag:s11] =	ssyncset.done $0x0  }
0x56: {  	[sflag:s11] =	ssyncadd.s32 $0xFFFFD800  }
0x57: {  	_ =	swait.ge [sflag:s11], $0x2800  }
0x58: {  	[sflag:s11] =	ssyncset.done $0x0  }
0x59: {  	[sflag:s11] =	ssyncadd.s32 $0xFFFFD800  }
0x5a: {  	[bflag:$0x0] =	sbarrier.arrive $0xFFFF  }
0x5b: {  	[tilespmem:s21], [sflag:$0x1] =	stream.linear.gather [hbm4b:s25+s21], $0x50, $0x38;
	[tilespmem:$0x1BD00] =	vst v63  }
0x5c: {  	s24 =	rddreg [dreg:$0x4]  }
0x5d: {  	[tilespmem:s31], [sflag:$0x3] =	stream.linear.gather [hbm4b:s24+s21], $0x2800, $0x38;
	[tilespmem:$0x1BD00] =	vst v63  }
0x5e: {  	s18 =	sadd.s32 $0x0, s30  }
0x5f: {  	[tilespmem:s12], [sflag:$0x2] =	stream.linear.gather [hbm4b:s18+s21], $0x50, $0x38;
	[tilespmem:$0x1BD00] =	vst v63  }
0x60: {  	s6 =	smov.u32 s25;
	s25 =	sadd.s32 $0xFFFFFB00, s28  }
0x61: {  	[tilespmem:s13], [sflag:$0x4] =	stream.linear.gather [hbm4b:s25+s21], $0x2800, $0x38;
	[tilespmem:$0x1BD00] =	vst v63  }
0x62: {  	_ =	swait.ge [sflag:s14], $0x50  }
0x63: {  	[sflag:s14] =	ssyncset.done $0x0  }
0x64: {  	[sflag:s14] =	ssyncadd.s32 $0xFFFFFFB0  }
0x65: {  	_ =	swait.ge [sflag:s15], $0x2800  }
0x66: {  	[sflag:s15] =	ssyncset.done $0x0  }
0x67: {  	[sflag:s15] =	ssyncadd.s32 $0xFFFFD800  }
0x68: {  	[spmem:s19] =	stream.indirect.scatter.add.f32 [tilespmem:s31], [sflag:$0x5], $0x80, s21, s3, $0xb8;
	[tilespmem:$0x1BD00] =	vst v63  }
0x69: {  	_ =	swait.ge [sflag:s20], $0x2800  }
0x6a: {  	s26 =	sshrl.u32 s29, $0x3;
	[sflag:s20] =	ssyncset.done $0x0  }
0x6b: {  	s18 =	sadd.s32 s1, s26;
	[sflag:s20] =	ssyncadd.s32 $0xFFFFD800  }
0x6c: {  	[tilespmem:s21], [sflag:$0x1] =	stream.linear.gather [hbm4b:s18+s21], $0x50, $0x38;
	[tilespmem:$0x1BD00] =	vst v63  }
0x6d: {  	_ = 	snop  }
0x6e: {  	[tilespmem:s31], [sflag:$0x3] =	stream.linear.gather [hbm4b:s28+s21], $0x2800, $0x38;
	[tilespmem:$0x1BD00] =	vst v63  }
0x6f: {  	_ =	swait.ge [sflag:s16], $0x50  }
0x70: {  	[sflag:s16] =	ssyncset.done $0x0  }
0x71: {  	[sflag:s16] =	ssyncadd.s32 $0xFFFFFFB0  }
0x72: {  	_ =	swait.ge [sflag:s11], $0x2800  }
0x73: {  	[sflag:s11] =	ssyncset.done $0x0  }
0x74: {  	[sflag:s11] =	ssyncadd.s32 $0xFFFFD800  }
0x75: {  	[spmem:s19] =	stream.indirect.scatter.add.f32 [tilespmem:s13], [sflag:$0x5], $0x80, s12, s3, $0xb8;
	[tilespmem:$0x1BD00] =	vst v63  }
0x76: {  	s23 =	sadd.s32 $0xA00, s28;
	s24 =	sadd.s32 $0xA0, s29;
	_ =	swait.ge [sflag:s20], $0x2800  }
0x77: {  	s26 =	simm.s32 $0x14;
	s25 =	simm.s32 $0x28;
	[sflag:s20] =	ssyncset.done $0x0  }
.LBB2_2:
0x78: {  	s4 =	sadd.s32 s26, s30  }
0x79: {  	[sflag:s20] =	ssyncadd.s32 $0xFFFFD800;
	s26 =	smov.u32 s25;
	s5 =	sadd.s32 $0x14, s25  }
0x7a: {  	[tilespmem:s12], [sflag:$0x2] =	stream.linear.gather [hbm4b:s4+s21], $0x50, $0x38;
	[tilespmem:$0x1BD00] =	vst v63  }
0x7b: {  	p0 =	sne.s32 s25, $0x4C4;
	s4 =	sadd.s32 $0xFFFFFB00, s23  }
0x7c: {  	[tilespmem:s13], [sflag:$0x4] =	stream.linear.gather [hbm4b:s4+s21], $0x2800, $0x38;
	[tilespmem:$0x1BD00] =	vst v63  }
0x7d: {  	_ =	swait.ge [sflag:s14], $0x50  }
0x7e: {  	[sflag:s14] =	ssyncset.done $0x0  }
0x7f: {  	[sflag:s14] =	ssyncadd.s32 $0xFFFFFFB0  }
0x80: {  	_ =	swait.ge [sflag:s15], $0x2800  }
0x81: {  	[sflag:s15] =	ssyncset.done $0x0  }
0x82: {  	[sflag:s15] =	ssyncadd.s32 $0xFFFFD800  }
0x83: {  	[spmem:s19] =	stream.indirect.scatter.add.f32 [tilespmem:s31], [sflag:$0x5], $0x80, s21, s3, $0xb8;
	[tilespmem:$0x1BD00] =	vst v63  }
0x84: {  	_ =	swait.ge [sflag:s20], $0x2800  }
0x85: {  	s4 =	sshrl.u32 s24, $0x3;
	[sflag:s20] =	ssyncset.done $0x0  }
0x86: {  	s4 =	sadd.s32 s1, s4;
	[sflag:s20] =	ssyncadd.s32 $0xFFFFD800  }
0x87: {  	[tilespmem:s21], [sflag:$0x1] =	stream.linear.gather [hbm4b:s4+s21], $0x50, $0x38;
	[tilespmem:$0x1BD00] =	vst v63  }
0x88: {  	_ = 	snop  }
0x89: {  	[tilespmem:s31], [sflag:$0x3] =	stream.linear.gather [hbm4b:s23+s21], $0x2800, $0x38;
	[tilespmem:$0x1BD00] =	vst v63  }
0x8a: {  	_ =	swait.ge [sflag:s16], $0x50  }
0x8b: {  	[sflag:s16] =	ssyncset.done $0x0  }
0x8c: {  	[sflag:s16] =	ssyncadd.s32 $0xFFFFFFB0  }
0x8d: {  	_ =	swait.ge [sflag:s11], $0x2800  }
.Ltmp0:
0x8e: {  	[sflag:s11] =	ssyncset.done $0x0;
	(pc) =	sbr.rel @p0 .LBB2_2-.Ltmp0, $4  }
0x8f: {  	[sflag:s11] =	ssyncadd.s32 $0xFFFFD800  }
0x90: {  	[spmem:s19] =	stream.indirect.scatter.add.f32 [tilespmem:s13], [sflag:$0x5], $0x80, s12, s3, $0xb8;
	[tilespmem:$0x1BD00] =	vst v63  }
0x91: {  	s25 =	smov.u32 s5;
	_ =	swait.ge [sflag:s20], $0x2800  }
0x92: {  	s24 =	sadd.s32 $0xA0, s24;
	s23 =	sadd.s32 $0xA00, s23;
	[sflag:s20] =	ssyncset.done $0x0  }
0x93: {  	s4 =	sadd.s32 s26, s30;
	[sflag:s20] =	ssyncadd.s32 $0xFFFFD800  }
0x94: {  	[tilespmem:s12], [sflag:$0x2] =	stream.linear.gather [hbm4b:s4+s21], $0x50, $0x38;
	[tilespmem:$0x1BD00] =	vst v63  }
0x95: {  	s5 =	sadd.s32 $0xFFFFFB00, s23  }
0x96: {  	[tilespmem:s13], [sflag:$0x4] =	stream.linear.gather [hbm4b:s5+s21], $0x2800, $0x38;
	[tilespmem:$0x1BD00] =	vst v63  }
0x97: {  	_ =	swait.ge [sflag:s14], $0x50  }
0x98: {  	[sflag:s14] =	ssyncset.done $0x0  }
0x99: {  	[sflag:s14] =	ssyncadd.s32 $0xFFFFFFB0  }
0x9a: {  	_ =	swait.ge [sflag:s15], $0x2800  }
0x9b: {  	[sflag:s15] =	ssyncset.done $0x0  }
0x9c: {  	[sflag:s15] =	ssyncadd.s32 $0xFFFFD800  }
0x9d: {  	[spmem:s19] =	stream.indirect.scatter.add.f32 [tilespmem:s31], [sflag:$0x5], $0x80, s21, s3, $0xb8;
	[tilespmem:$0x1BD00] =	vst v63  }
0x9e: {  	_ =	swait.ge [sflag:s20], $0x2800  }
0x9f: {  	s25 =	sshrl.u32 s24, $0x3;
	[sflag:s20] =	ssyncset.done $0x0  }
0xa0: {  	s4 =	sadd.s32 s1, s25;
	[sflag:s20] =	ssyncadd.s32 $0xFFFFD800  }
0xa1: {  	[tilespmem:s21], [sflag:$0x1] =	stream.linear.gather [hbm4b:s4+s21], $0x50, $0x38;
	[tilespmem:$0x1BD00] =	vst v63  }
0xa2: {  	_ = 	snop  }
0xa3: {  	[tilespmem:s31], [sflag:$0x3] =	stream.linear.gather [hbm4b:s23+s21], $0x2800, $0x38;
	[tilespmem:$0x1BD00] =	vst v63  }
0xa4: {  	_ =	swait.ge [sflag:s16], $0x50  }
0xa5: {  	[sflag:s16] =	ssyncset.done $0x0  }
0xa6: {  	[sflag:s16] =	ssyncadd.s32 $0xFFFFFFB0  }
0xa7: {  	_ =	swait.ge [sflag:s11], $0x2800  }
0xa8: {  	[sflag:s11] =	ssyncset.done $0x0  }
0xa9: {  	[sflag:s11] =	ssyncadd.s32 $0xFFFFD800  }
0xaa: {  	[spmem:s19] =	stream.indirect.scatter.add.f32 [tilespmem:s13], [sflag:$0x5], $0x80, s12, s3, $0xb8;
	[tilespmem:$0x1BD00] =	vst v63  }
0xab: {  	_ =	swait.ge [sflag:s20], $0x2800  }
0xac: {  	[sflag:s20] =	ssyncset.done $0x0  }
0xad: {  	[sflag:s20] =	ssyncadd.s32 $0xFFFFD800  }
0xae: {  	_ =	swait.ge [sflag:s14], $0x50  }
0xaf: {  	[sflag:s14] =	ssyncset.done $0x0  }
0xb0: {  	[sflag:s14] =	ssyncadd.s32 $0xFFFFFFB0  }
0xb1: {  	_ =	swait.ge [sflag:s15], $0x2800  }
0xb2: {  	[sflag:s15] =	ssyncset.done $0x0  }
0xb3: {  	s23 =	simm.s32 $0x0;
	[sflag:s15] =	ssyncadd.s32 $0xFFFFD800  }
0xb4: {  	[spmem:s19] =	stream.indirect.scatter.add.f32 [tilespmem:s31], [sflag:$0x5], $0x80, s23, s3, $0xb8;
	[tilespmem:$0x1BD00] =	vst v63  }
0xb5: {  	_ =	swait.ge [sflag:s20], $0x2800  }
0xb6: {  	[sflag:s20] =	ssyncset.done $0x0  }
0xb7: {  	[sflag:s20] =	ssyncadd.s32 $0xFFFFD800  }
0xb8: {  	[bflag:$0x0] =	sbarrier.arrive $0xFFFF  }
0xb9: {  	[tilespmem:s31], [sflag:$0x5] =	stream.indirect.gather [spmem:s19], $0x80, s2, s3, $0xb8;
	[tilespmem:$0x1BD00] =	vst v63  }
0xba: {  	_ =	swait.ge [sflag:s20], $0x2800  }
0xbb: {  	[sflag:s20] =	ssyncset.done $0x0  }
0xbc: {  	s26 =	rddreg [dreg:$0x5];
	[sflag:s20] =	ssyncadd.s32 $0xFFFFD800  }
0xbd: {  	[hbm4b:s26+s23] =	stream.linear.scatter [tilespmem:s31], [sflag:$0x3], $0x2800, $0x38;
	[tilespmem:$0x1BD00] =	vst v63  }
0xbe: {  	s26 =	simm.s32 $0x7980  }
0xbf: {  	[tilespmem:s13], [sflag:$0x5] =	stream.indirect.gather [spmem:s19], $0x80, s26, s3, $0xb8;
	[tilespmem:$0x1BD00] =	vst v63  }
0xc0: {  	_ =	swait.ge [sflag:s20], $0x2800  }
0xc1: {  	[sflag:s20] =	ssyncset.done $0x0  }
0xc2: {  	s5 =	rddreg [dreg:$0x6];
	[sflag:s20] =	ssyncadd.s32 $0xFFFFD800  }
0xc3: {  	[hbm4b:s5+s23] =	stream.linear.scatter [tilespmem:s13], [sflag:$0x4], $0x2800, $0x38;
	[tilespmem:$0x1BD00] =	vst v63  }
0xc4: {  	_ =	swait.ge [sflag:s15], $0x2800  }
0xc5: {  	[sflag:s15] =	ssyncset.done $0x0  }
0xc6: {  	s5 =	simm.s32 $0x7A00;
	[sflag:s15] =	ssyncadd.s32 $0xFFFFD800  }
0xc7: {  	[tilespmem:s31], [sflag:$0x5] =	stream.indirect.gather [spmem:s19], $0x80, s5, s3, $0xb8;
	[tilespmem:$0x1BD00] =	vst v63  }
0xc8: {  	_ =	swait.ge [sflag:s20], $0x2800  }
0xc9: {  	[sflag:s20] =	ssyncset.done $0x0  }
0xca: {  	s24 =	rddreg [dreg:$0x7];
	[sflag:s20] =	ssyncadd.s32 $0xFFFFD800  }
0xcb: {  	[hbm4b:s24+s23] =	stream.linear.scatter [tilespmem:s31], [sflag:$0x3], $0x2800, $0x38;
	[tilespmem:$0x1BD00] =	vst v63  }
0xcc: {  	_ =	swait.ge [sflag:s11], $0x2800  }
0xcd: {  	[sflag:s11] =	ssyncset.done $0x0  }
0xce: {  	s24 =	simm.s32 $0x7A80;
	[sflag:s11] =	ssyncadd.s32 $0xFFFFD800  }
0xcf: {  	[tilespmem:s13], [sflag:$0x5] =	stream.indirect.gather [spmem:s19], $0x80, s24, s3, $0xb8;
	[tilespmem:$0x1BD00] =	vst v63  }
0xd0: {  	_ =	swait.ge [sflag:s20], $0x2800  }
0xd1: {  	[sflag:s20] =	ssyncset.done $0x0  }
0xd2: {  	s25 =	rddreg [dreg:$0x8];
	[sflag:s20] =	ssyncadd.s32 $0xFFFFD800  }
0xd3: {  	[hbm4b:s25+s23] =	stream.linear.scatter [tilespmem:s13], [sflag:$0x4], $0x2800, $0x38;
	[tilespmem:$0x1BD00] =	vst v63  }
0xd4: {  	_ =	swait.ge [sflag:s15], $0x2800  }
0xd5: {  	[sflag:s15] =	ssyncset.done $0x0  }
0xd6: {  	[sflag:s15] =	ssyncadd.s32 $0xFFFFD800  }
0xd7: {  	[tilespmem:s31], [sflag:$0x5] =	stream.indirect.gather [spmem:s19], $0x80, s7, s3, $0xb8;
	[tilespmem:$0x1BD00] =	vst v63  }
0xd8: {  	_ =	swait.ge [sflag:s20], $0x2800  }
0xd9: {  	[sflag:s20] =	ssyncset.done $0x0  }
0xda: {  	s25 =	rddreg [dreg:$0x9];
	[sflag:s20] =	ssyncadd.s32 $0xFFFFD800  }
0xdb: {  	[hbm4b:s25+s23] =	stream.linear.scatter [tilespmem:s31], [sflag:$0x3], $0x2800, $0x38;
	[tilespmem:$0x1BD00] =	vst v63  }
0xdc: {  	_ =	swait.ge [sflag:s11], $0x2800  }
0xdd: {  	[sflag:s11] =	ssyncset.done $0x0  }
0xde: {  	[sflag:s11] =	ssyncadd.s32 $0xFFFFD800  }
0xdf: {  	[tilespmem:s13], [sflag:$0x5] =	stream.indirect.gather [spmem:s19], $0x80, s8, s3, $0xb8;
	[tilespmem:$0x1BD00] =	vst v63  }
0xe0: {  	_ =	swait.ge [sflag:s20], $0x2800  }
0xe1: {  	[sflag:s20] =	ssyncset.done $0x0  }
0xe2: {  	s25 =	rddreg [dreg:$0xa];
	[sflag:s20] =	ssyncadd.s32 $0xFFFFD800  }
0xe3: {  	[hbm4b:s25+s23] =	stream.linear.scatter [tilespmem:s13], [sflag:$0x4], $0x2800, $0x38;
	[tilespmem:$0x1BD00] =	vst v63  }
0xe4: {  	_ =	swait.ge [sflag:s15], $0x2800  }
0xe5: {  	[sflag:s15] =	ssyncset.done $0x0  }
0xe6: {  	[sflag:s15] =	ssyncadd.s32 $0xFFFFD800  }
0xe7: {  	[tilespmem:s31], [sflag:$0x5] =	stream.indirect.gather [spmem:s19], $0x80, s9, s3, $0xb8;
	[tilespmem:$0x1BD00] =	vst v63  }
0xe8: {  	_ =	swait.ge [sflag:s20], $0x2800  }
0xe9: {  	[sflag:s20] =	ssyncset.done $0x0  }
0xea: {  	s25 =	rddreg [dreg:$0xb];
	[sflag:s20] =	ssyncadd.s32 $0xFFFFD800  }
0xeb: {  	[hbm4b:s25+s23] =	stream.linear.scatter [tilespmem:s31], [sflag:$0x3], $0x2800, $0x38;
	[tilespmem:$0x1BD00] =	vst v63  }
0xec: {  	_ =	swait.ge [sflag:s11], $0x2800  }
0xed: {  	[sflag:s11] =	ssyncset.done $0x0  }
0xee: {  	[sflag:s11] =	ssyncadd.s32 $0xFFFFD800  }
0xef: {  	[tilespmem:s13], [sflag:$0x5] =	stream.indirect.gather [spmem:s19], $0x80, s10, s3, $0xb8;
	[tilespmem:$0x1BD00] =	vst v63  }
0xf0: {  	_ =	swait.ge [sflag:s20], $0x2800  }
0xf1: {  	[sflag:s20] =	ssyncset.done $0x0  }
0xf2: {  	s25 =	rddreg [dreg:$0xc];
	[sflag:s20] =	ssyncadd.s32 $0xFFFFD800  }
0xf3: {  	[hbm4b:s25+s23] =	stream.linear.scatter [tilespmem:s13], [sflag:$0x4], $0x2800, $0x38;
	[tilespmem:$0x1BD00] =	vst v63  }
0xf4: {  	_ =	swait.ge [sflag:s15], $0x2800  }
0xf5: {  	[sflag:s15] =	ssyncset.done $0x0  }
0xf6: {  	[sflag:s15] =	ssyncadd.s32 $0xFFFFD800  }
0xf7: {  	_ =	swait.ge [sflag:s11], $0x2800  }
0xf8: {  	[sflag:s11] =	ssyncset.done $0x0  }
0xf9: {  	[sflag:s11] =	ssyncadd.s32 $0xFFFFD800  }
0xfa: {  	[bflag:$0x0] =	sbarrier.arrive $0xFFFF  }
0xfb: {  	[tilespmem:s31], [sflag:$0x5] =	stream.linear.gather [hbm4b:s22+s23], $0x2800, $0x38;
	[tilespmem:$0x1BD00] =	vst v63  }
0xfc: {  	_ =	swait.ge [sflag:s20], $0x2800  }
0xfd: {  	[sflag:s20] =	ssyncset.done $0x0  }
0xfe: {  	[sflag:s20] =	ssyncadd.s32 $0xFFFFD800  }
0xff: {  	[tilespmem:s13], [sflag:$0x5] =	stream.linear.gather [hbm4b:s22+s23], $0x2800, $0x38;
	[tilespmem:$0x1BD00] =	vst v63  }
0x100: {  	_ =	swait.ge [sflag:s20], $0x2800  }
0x101: {  	[sflag:s20] =	ssyncset.done $0x0  }
0x102: {  	[sflag:s20] =	ssyncadd.s32 $0xFFFFD800  }
0x103: {  	[spmem:s19] =	stream.indirect.scatter [tilespmem:s31], [sflag:$0x4], $0x80, s2, s3, $0xb8;
	[tilespmem:$0x1BD00] =	vst v63  }
0x104: {  	_ = 	snop  }
0x105: {  	[spmem:s19] =	stream.indirect.scatter [tilespmem:s31], [sflag:$0x4], $0x80, s26, s3, $0xb8;
	[tilespmem:$0x1BD00] =	vst v63  }
0x106: {  	_ = 	snop  }
0x107: {  	[spmem:s19] =	stream.indirect.scatter [tilespmem:s31], [sflag:$0x4], $0x80, s5, s3, $0xb8;
	[tilespmem:$0x1BD00] =	vst v63  }
0x108: {  	_ = 	snop  }
0x109: {  	[spmem:s19] =	stream.indirect.scatter [tilespmem:s31], [sflag:$0x4], $0x80, s24, s3, $0xb8;
	[tilespmem:$0x1BD00] =	vst v63  }
0x10a: {  	_ = 	snop  }
0x10b: {  	[spmem:s19] =	stream.indirect.scatter [tilespmem:s31], [sflag:$0x4], $0x80, s7, s3, $0xb8;
	[tilespmem:$0x1BD00] =	vst v63  }
0x10c: {  	_ = 	snop  }
0x10d: {  	[spmem:s19] =	stream.indirect.scatter [tilespmem:s31], [sflag:$0x4], $0x80, s8, s3, $0xb8;
	[tilespmem:$0x1BD00] =	vst v63  }
0x10e: {  	_ = 	snop  }
0x10f: {  	[spmem:s19] =	stream.indirect.scatter [tilespmem:s31], [sflag:$0x4], $0x80, s9, s3, $0xb8;
	[tilespmem:$0x1BD00] =	vst v63  }
0x110: {  	_ = 	snop  }
0x111: {  	[spmem:s19] =	stream.indirect.scatter [tilespmem:s31], [sflag:$0x4], $0x80, s10, s3, $0xb8;
	[tilespmem:$0x1BD00] =	vst v63  }
0x112: {  	_ =	swait.ge [sflag:s11], $0x2800  }
0x113: {  	[sflag:s11] =	ssyncset.done $0x0  }
0x114: {  	[sflag:s11] =	ssyncadd.s32 $0xFFFFD800  }
0x115: {  	_ =	swait.ge [sflag:s11], $0x2800  }
0x116: {  	[sflag:s11] =	ssyncset.done $0x0  }
0x117: {  	[sflag:s11] =	ssyncadd.s32 $0xFFFFD800  }
0x118: {  	_ =	swait.ge [sflag:s11], $0x2800  }
0x119: {  	[sflag:s11] =	ssyncset.done $0x0  }
0x11a: {  	[sflag:s11] =	ssyncadd.s32 $0xFFFFD800  }
0x11b: {  	_ =	swait.ge [sflag:s11], $0x2800  }
0x11c: {  	[sflag:s11] =	ssyncset.done $0x0  }
0x11d: {  	[sflag:s11] =	ssyncadd.s32 $0xFFFFD800  }
0x11e: {  	_ =	swait.ge [sflag:s11], $0x2800  }
0x11f: {  	[sflag:s11] =	ssyncset.done $0x0  }
0x120: {  	[sflag:s11] =	ssyncadd.s32 $0xFFFFD800  }
0x121: {  	_ =	swait.ge [sflag:s11], $0x2800  }
0x122: {  	[sflag:s11] =	ssyncset.done $0x0  }
0x123: {  	[sflag:s11] =	ssyncadd.s32 $0xFFFFD800  }
0x124: {  	_ =	swait.ge [sflag:s11], $0x2800  }
0x125: {  	[sflag:s11] =	ssyncset.done $0x0  }
0x126: {  	[sflag:s11] =	ssyncadd.s32 $0xFFFFD800  }
0x127: {  	_ =	swait.ge [sflag:s11], $0x2800  }
0x128: {  	[sflag:s11] =	ssyncset.done $0x0  }
0x129: {  	[sflag:s11] =	ssyncadd.s32 $0xFFFFD800  }
0x12a: {  	[bflag:$0x0] =	sbarrier.arrive $0xFFFF  }
0x12b: {  	[tilespmem:s23], [sflag:$0x1] =	stream.linear.gather [hbm4b:s6+s23], $0x50, $0x38;
	[tilespmem:$0x1BD00] =	vst v63  }
0x12c: {  	s24 =	sadd.s32 $0x0, s30  }
0x12d: {  	[tilespmem:s12], [sflag:$0x2] =	stream.linear.gather [hbm4b:s24+s21], $0x50, $0x38;
	[tilespmem:$0x1BD00] =	vst v63  }
0x12e: {  	_ =	swait.ge [sflag:s14], $0x50  }
0x12f: {  	[sflag:s14] =	ssyncset.done $0x0  }
0x130: {  	[sflag:s14] =	ssyncadd.s32 $0xFFFFFFB0  }
0x131: {  	[spmem:s19] =	stream.indirect.scatter.add.f32 [tilespmem:s0], [sflag:$0x5], $0x80, s21, s3, $0xb8;
	[tilespmem:$0x1BD00] =	vst v63  }
0x132: {  	_ =	swait.ge [sflag:s20], $0x2800  }
0x133: {  	[sflag:s20] =	ssyncset.done $0x0  }
0x134: {  	[sflag:s20] =	ssyncadd.s32 $0xFFFFD800  }
0x135: {  	[tilespmem:s21], [sflag:$0x1] =	stream.linear.gather [hbm4b:s18+s21], $0x50, $0x38;
	[tilespmem:$0x1BD00] =	vst v63  }
0x136: {  	_ =	swait.ge [sflag:s16], $0x50  }
0x137: {  	[sflag:s16] =	ssyncset.done $0x0  }
0x138: {  	[sflag:s16] =	ssyncadd.s32 $0xFFFFFFB0  }
0x139: {  	[spmem:s19] =	stream.indirect.scatter.add.f32 [tilespmem:s0], [sflag:$0x5], $0x80, s12, s3, $0xb8;
	[tilespmem:$0x1BD00] =	vst v63  }
0x13a: {  	s25 =	smov.u32 s6;
	s23 =	simm.s32 $0x14;
	_ =	swait.ge [sflag:s20], $0x2800  }
0x13b: {  	s24 =	simm.s32 $0x28;
	s18 =	sadd.s32 $0xA0, s29;
	[sflag:s20] =	ssyncset.done $0x0  }
.LBB2_4:
0x13c: {  	s4 =	sadd.s32 s23, s30  }
0x13d: {  	[sflag:s20] =	ssyncadd.s32 $0xFFFFD800;
	s23 =	smov.u32 s24;
	s5 =	sadd.s32 $0x14, s24  }
0x13e: {  	[tilespmem:s12], [sflag:$0x2] =	stream.linear.gather [hbm4b:s4+s21], $0x50, $0x38;
	[tilespmem:$0x1BD00] =	vst v63  }
0x13f: {  	p0 =	sne.s32 s24, $0x4C4;
	_ =	swait.ge [sflag:s14], $0x50  }
0x140: {  	[sflag:s14] =	ssyncset.done $0x0  }
0x141: {  	[sflag:s14] =	ssyncadd.s32 $0xFFFFFFB0  }
0x142: {  	[spmem:s19] =	stream.indirect.scatter.add.f32 [tilespmem:s0], [sflag:$0x5], $0x80, s21, s3, $0xb8;
	[tilespmem:$0x1BD00] =	vst v63  }
0x143: {  	_ =	swait.ge [sflag:s20], $0x2800  }
0x144: {  	s4 =	sshrl.u32 s18, $0x3;
	[sflag:s20] =	ssyncset.done $0x0  }
0x145: {  	s4 =	sadd.s32 s1, s4;
	[sflag:s20] =	ssyncadd.s32 $0xFFFFD800  }
0x146: {  	[tilespmem:s21], [sflag:$0x1] =	stream.linear.gather [hbm4b:s4+s21], $0x50, $0x38;
	[tilespmem:$0x1BD00] =	vst v63  }
0x147: {  	_ =	swait.ge [sflag:s16], $0x50  }
.Ltmp1:
0x148: {  	[sflag:s16] =	ssyncset.done $0x0;
	(pc) =	sbr.rel @p0 .LBB2_4-.Ltmp1, $4  }
0x149: {  	[sflag:s16] =	ssyncadd.s32 $0xFFFFFFB0  }
0x14a: {  	[spmem:s19] =	stream.indirect.scatter.add.f32 [tilespmem:s0], [sflag:$0x5], $0x80, s12, s3, $0xb8;
	[tilespmem:$0x1BD00] =	vst v63  }
0x14b: {  	_ =	swait.ge [sflag:s20], $0x2800  }
0x14c: {  	s18 =	sadd.s32 $0xA0, s18;
	s24 =	smov.u32 s5;
	[sflag:s20] =	ssyncset.done $0x0  }
0x14d: {  	s4 =	sadd.s32 s23, s30;
	[sflag:s20] =	ssyncadd.s32 $0xFFFFD800  }
0x14e: {  	[tilespmem:s12], [sflag:$0x2] =	stream.linear.gather [hbm4b:s4+s21], $0x50, $0x38;
	[tilespmem:$0x1BD00] =	vst v63  }
0x14f: {  	_ =	swait.ge [sflag:s14], $0x50  }
0x150: {  	[sflag:s14] =	ssyncset.done $0x0  }
0x151: {  	[sflag:s14] =	ssyncadd.s32 $0xFFFFFFB0  }
0x152: {  	[spmem:s19] =	stream.indirect.scatter.add.f32 [tilespmem:s0], [sflag:$0x5], $0x80, s21, s3, $0xb8;
	[tilespmem:$0x1BD00] =	vst v63  }
0x153: {  	_ =	swait.ge [sflag:s20], $0x2800  }
0x154: {  	s23 =	sshrl.u32 s18, $0x3;
	[sflag:s20] =	ssyncset.done $0x0  }
0x155: {  	s4 =	sadd.s32 s1, s23;
	[sflag:s20] =	ssyncadd.s32 $0xFFFFD800  }
0x156: {  	[tilespmem:s21], [sflag:$0x1] =	stream.linear.gather [hbm4b:s4+s21], $0x50, $0x38;
	[tilespmem:$0x1BD00] =	vst v63  }
0x157: {  	_ =	swait.ge [sflag:s16], $0x50  }
0x158: {  	[sflag:s16] =	ssyncset.done $0x0  }
0x159: {  	[sflag:s16] =	ssyncadd.s32 $0xFFFFFFB0  }
0x15a: {  	[spmem:s19] =	stream.indirect.scatter.add.f32 [tilespmem:s0], [sflag:$0x5], $0x80, s12, s3, $0xb8;
	[tilespmem:$0x1BD00] =	vst v63  }
0x15b: {  	_ =	swait.ge [sflag:s20], $0x2800  }
0x15c: {  	[sflag:s20] =	ssyncset.done $0x0  }
0x15d: {  	[sflag:s20] =	ssyncadd.s32 $0xFFFFD800  }
0x15e: {  	_ =	swait.ge [sflag:s14], $0x50  }
0x15f: {  	[sflag:s14] =	ssyncset.done $0x0  }
0x160: {  	[sflag:s14] =	ssyncadd.s32 $0xFFFFFFB0  }
0x161: {  	[spmem:s19] =	stream.indirect.scatter.add.f32 [tilespmem:s0], [sflag:$0x5], $0x80, s21, s3, $0xb8;
	[tilespmem:$0x1BD00] =	vst v63  }
0x162: {  	_ =	swait.ge [sflag:s20], $0x2800  }
0x163: {  	[sflag:s20] =	ssyncset.done $0x0  }
0x164: {  	[sflag:s20] =	ssyncadd.s32 $0xFFFFD800  }
0x165: {  	[bflag:$0x0] =	sbarrier.arrive $0xFFFF  }
0x166: {  	[tilespmem:s31], [sflag:$0x5] =	stream.indirect.gather [spmem:s19], $0x80, s2, s3, $0xb8;
	[tilespmem:$0x1BD00] =	vst v63  }
0x167: {  	_ =	swait.ge [sflag:s20], $0x2800  }
0x168: {  	[sflag:s20] =	ssyncset.done $0x0  }
0x169: {  	s24 =	rddreg [dreg:$0xd];
	[sflag:s20] =	ssyncadd.s32 $0xFFFFD800  }
0x16a: {  	[hbm4b:s24+s21] =	stream.linear.scatter [tilespmem:s31], [sflag:$0x3], $0x2800, $0x38;
	[tilespmem:$0x1BD00] =	vst v63  }
0x16b: {  	_ = 	snop  }
0x16c: {  	[tilespmem:s13], [sflag:$0x5] =	stream.indirect.gather [spmem:s19], $0x80, s26, s3, $0xb8;
	[tilespmem:$0x1BD00] =	vst v63  }
0x16d: {  	_ =	swait.ge [sflag:s20], $0x2800  }
0x16e: {  	[sflag:s20] =	ssyncset.done $0x0  }
0x16f: {  	s5 =	rddreg [dreg:$0xe];
	[sflag:s20] =	ssyncadd.s32 $0xFFFFD800  }
0x170: {  	[hbm4b:s5+s21] =	stream.linear.scatter [tilespmem:s13], [sflag:$0x4], $0x2800, $0x38;
	[tilespmem:$0x1BD00] =	vst v63  }
0x171: {  	_ =	swait.ge [sflag:s15], $0x2800  }
0x172: {  	[sflag:s15] =	ssyncset.done $0x0  }
0x173: {  	s5 =	simm.s32 $0x7A00;
	[sflag:s15] =	ssyncadd.s32 $0xFFFFD800  }
0x174: {  	[tilespmem:s31], [sflag:$0x5] =	stream.indirect.gather [spmem:s19], $0x80, s5, s3, $0xb8;
	[tilespmem:$0x1BD00] =	vst v63  }
0x175: {  	_ =	swait.ge [sflag:s20], $0x2800  }
0x176: {  	[sflag:s20] =	ssyncset.done $0x0  }
0x177: {  	s6 =	rddreg [dreg:$0xf];
	[sflag:s20] =	ssyncadd.s32 $0xFFFFD800  }
0x178: {  	[hbm4b:s6+s21] =	stream.linear.scatter [tilespmem:s31], [sflag:$0x3], $0x2800, $0x38;
	[tilespmem:$0x1BD00] =	vst v63  }
0x179: {  	_ =	swait.ge [sflag:s11], $0x2800  }
0x17a: {  	[sflag:s11] =	ssyncset.done $0x0  }
0x17b: {  	s6 =	simm.s32 $0x7A80;
	[sflag:s11] =	ssyncadd.s32 $0xFFFFD800  }
0x17c: {  	[tilespmem:s13], [sflag:$0x5] =	stream.indirect.gather [spmem:s19], $0x80, s6, s3, $0xb8;
	[tilespmem:$0x1BD00] =	vst v63  }
0x17d: {  	_ =	swait.ge [sflag:s20], $0x2800  }
0x17e: {  	[sflag:s20] =	ssyncset.done $0x0  }
0x17f: {  	s18 =	rddreg [dreg:$0x10];
	[sflag:s20] =	ssyncadd.s32 $0xFFFFD800  }
0x180: {  	[hbm4b:s18+s21] =	stream.linear.scatter [tilespmem:s13], [sflag:$0x4], $0x2800, $0x38;
	[tilespmem:$0x1BD00] =	vst v63  }
0x181: {  	_ =	swait.ge [sflag:s15], $0x2800  }
0x182: {  	[sflag:s15] =	ssyncset.done $0x0  }
0x183: {  	[sflag:s15] =	ssyncadd.s32 $0xFFFFD800  }
0x184: {  	[tilespmem:s31], [sflag:$0x5] =	stream.indirect.gather [spmem:s19], $0x80, s7, s3, $0xb8;
	[tilespmem:$0x1BD00] =	vst v63  }
0x185: {  	_ =	swait.ge [sflag:s20], $0x2800  }
0x186: {  	[sflag:s20] =	ssyncset.done $0x0  }
0x187: {  	s23 =	rddreg [dreg:$0x11];
	[sflag:s20] =	ssyncadd.s32 $0xFFFFD800  }
0x188: {  	[hbm4b:s23+s21] =	stream.linear.scatter [tilespmem:s31], [sflag:$0x3], $0x2800, $0x38;
	[tilespmem:$0x1BD00] =	vst v63  }
0x189: {  	_ =	swait.ge [sflag:s11], $0x2800  }
0x18a: {  	[sflag:s11] =	ssyncset.done $0x0  }
0x18b: {  	[sflag:s11] =	ssyncadd.s32 $0xFFFFD800  }
0x18c: {  	[tilespmem:s13], [sflag:$0x5] =	stream.indirect.gather [spmem:s19], $0x80, s8, s3, $0xb8;
	[tilespmem:$0x1BD00] =	vst v63  }
0x18d: {  	_ =	swait.ge [sflag:s20], $0x2800  }
0x18e: {  	[sflag:s20] =	ssyncset.done $0x0  }
0x18f: {  	s24 =	rddreg [dreg:$0x12];
	[sflag:s20] =	ssyncadd.s32 $0xFFFFD800  }
0x190: {  	[hbm4b:s24+s21] =	stream.linear.scatter [tilespmem:s13], [sflag:$0x4], $0x2800, $0x38;
	[tilespmem:$0x1BD00] =	vst v63  }
0x191: {  	_ =	swait.ge [sflag:s15], $0x2800  }
0x192: {  	[sflag:s15] =	ssyncset.done $0x0  }
0x193: {  	[sflag:s15] =	ssyncadd.s32 $0xFFFFD800  }
0x194: {  	[tilespmem:s31], [sflag:$0x5] =	stream.indirect.gather [spmem:s19], $0x80, s9, s3, $0xb8;
	[tilespmem:$0x1BD00] =	vst v63  }
0x195: {  	_ =	swait.ge [sflag:s20], $0x2800  }
0x196: {  	[sflag:s20] =	ssyncset.done $0x0  }
0x197: {  	s18 =	rddreg [dreg:$0x13];
	[sflag:s20] =	ssyncadd.s32 $0xFFFFD800  }
0x198: {  	[hbm4b:s18+s21] =	stream.linear.scatter [tilespmem:s31], [sflag:$0x3], $0x2800, $0x38;
	[tilespmem:$0x1BD00] =	vst v63  }
0x199: {  	_ =	swait.ge [sflag:s11], $0x2800  }
0x19a: {  	[sflag:s11] =	ssyncset.done $0x0  }
0x19b: {  	[sflag:s11] =	ssyncadd.s32 $0xFFFFD800  }
0x19c: {  	[tilespmem:s13], [sflag:$0x5] =	stream.indirect.gather [spmem:s19], $0x80, s10, s3, $0xb8;
	[tilespmem:$0x1BD00] =	vst v63  }
0x19d: {  	_ =	swait.ge [sflag:s20], $0x2800  }
0x19e: {  	[sflag:s20] =	ssyncset.done $0x0  }
0x19f: {  	s23 =	rddreg [dreg:$0x14];
	[sflag:s20] =	ssyncadd.s32 $0xFFFFD800  }
0x1a0: {  	[hbm4b:s23+s21] =	stream.linear.scatter [tilespmem:s13], [sflag:$0x4], $0x2800, $0x38;
	[tilespmem:$0x1BD00] =	vst v63  }
0x1a1: {  	_ =	swait.ge [sflag:s15], $0x2800  }
0x1a2: {  	[sflag:s15] =	ssyncset.done $0x0  }
0x1a3: {  	[sflag:s15] =	ssyncadd.s32 $0xFFFFD800  }
0x1a4: {  	_ =	swait.ge [sflag:s11], $0x2800  }
0x1a5: {  	s17 =	sadd.s32 $0x1, s17;
	s24 =	rddreg [dreg:$0x17]  }
0x1a6: {  	p0 =	sne.s32 s17, s24  }
.Ltmp2:
0x1a7: {  	_ = 	snop;
	(pc) =	sbr.rel @p0 .LBB2_1-.Ltmp2, $3  }
0x1a8: {  	_ =	sdelay $0x1  }
0x1a9: {  	[sflag:s11] =	ssyncset.done $0x0  }
0x1aa: {  	[sflag:s11] =	ssyncadd.s32 $0xFFFFD800  }
0x1ab: {  	_ =	sfence.sel $0x180000  }
0x1ac: {  	[bflag:$0x0] =	sbarrier.arrive $0xFFFF  }
0x1ad: {  	_ =	strace $0x90000047  }
0x1ae: {  	s0 =	stileid.u32;
	[bflag:$0x2] =	sbarrier.arrive $0xFFFF  }
0x1af: {  	p0 =	sne.s32 s0, $0x0;
	s0 =	rddreg [dreg:$0x3]  }
0x1b0: {  	s0 =	sadd.s32 @!p0 $0x100000, s0  }
0x1b1: {  	[sflag:s0] =	ssyncadd.tile.s32 @!p0 $0x1;
	_ =	shalt  }
.Lfunc_end2:
_tile_overlayer_lowered:
.L_overlay_start_2:
0x1b2: {  	(tag) =	ssettag $0x2  }
0x1b3: {  	s0 =	rddreg [dreg:$0x0];
	s2 =	stileid.u32  }
0x1b4: {  	s1 =	rddreg [dreg:$0x1];
	p0 =	sne.s32 s2, $0x0  }
0x1b5: {  	s3 =	rddreg [dreg:$0x2];
	[bflag:$0x3] =	sbarrier.arrive $0xFFFF;
	s2 =	simm.s32 @!p0 $0x1C05  }
0x1b6: {  	[timem:s3], [sflag:s2] =	dma.local @!p0 [hbm:s0], s1  }
0x1b7: {  	s0 =	simm.s32 @!p0 $0x5  }
0x1b8: {  	_ =	swait.ge @!p0 [sflag:s0], s1  }
0x1b9: {  	s1 =	ssub.s32 @!p0 $0x0, s1;
	[sflag:s0] =	ssyncset.done @!p0 $0x0  }
0x1ba: {  	[sflag:s0] =	ssyncadd.s32 @!p0 s1  }
0x1bb: {  	[bflag:$0x3] =	sbarrier.arrive $0xFFFF  }
0x1bc: {  	_ =	shalt  }

</sc_bundles>
